<compile_context>
chip_gen: v7x
topology: tpu7x:2x2x1
jax: 0.10.2.dev20260603
libtpu: 0.0.44.dev20260713+nightly
codegen_flags: <defaults>
</compile_context>

<pallas_src>
import functools

import jax
import jax.numpy as jnp
from jax import lax
from jax.experimental import pallas as pl
from jax.experimental.pallas import tpu as pltpu
from jax.experimental.pallas import tpu_sc as plsc

N_SMIRKS = 64
N_ATTRS = 2
M = 8388608
W = 128
NBLK = M // W

NC, NS, L = 2, 16, 16
NW = NC * NS
BLK_W = NBLK // NW
NB = 128
NCHUNK = BLK_W // NB
NVEC = NB * (W // L)

_mesh = plsc.VectorSubcoreMesh(core_axis_name="c", subcore_axis_name="s")


@functools.partial(
    pl.kernel,
    out_type=jax.ShapeDtypeStruct((NBLK, N_ATTRS, W), jnp.float32),
    mesh=_mesh,
    compiler_params=pltpu.CompilerParams(needs_layout_passes=False),
    scratch_types=[
        pltpu.VMEM((N_SMIRKS * N_ATTRS,), jnp.float32),
        pltpu.VMEM((2, NB, W), jnp.int32),
        pltpu.VMEM((2, NB, N_ATTRS, W), jnp.float32),
        pltpu.VMEM((2, NB), jnp.int32),
        pltpu.SemaphoreType.DMA,
        pltpu.SemaphoreType.DMA,
        pltpu.SemaphoreType.DMA,
        pltpu.SemaphoreType.DMA,
        pltpu.SemaphoreType.DMA,
        pltpu.SemaphoreType.DMA,
    ],
)
def _sc_add_delta(hp_hbm, ids_hbm, delta_hbm, out_hbm,
                  delta_v, ids_v, out_v, idx_v,
                  sin0, sin1, sadd0, sadd1, sout0, sout1):
    wid = lax.axis_index("s") * NC + lax.axis_index("c")
    pltpu.sync_copy(delta_hbm, delta_v)
    b0 = wid * BLK_W
    sin = (sin0, sin1)
    sadd = (sadd0, sadd1)
    sout = (sout0, sout1)
    iota = lax.iota(jnp.int32, L)

    def ids_desc(c, b):
        blk = b0 + c * NB
        return pltpu.make_async_copy(ids_hbm.at[pl.ds(blk, NB), :],
                                     ids_v.at[b], sin[b])

    def add_desc(c, b):
        return pltpu.make_async_copy(hp_hbm.at[idx_v.at[b]],
                                     out_v.at[b], sadd[b])

    def out_desc(c, b):
        blk = b0 + c * NB
        return pltpu.make_async_copy(out_v.at[b],
                                     out_hbm.at[pl.ds(blk, NB), :, :],
                                     sout[b])

    def fill(c, b):
        base = b0 + c * NB

        @plsc.parallel_loop(0, NB // L, unroll=2)
        def idx_body(i):
            idx_v[b, pl.ds(i * L, L)] = iota + (base + i * L)

        @plsc.parallel_loop(0, NVEC, unroll=8)
        def vec_body(i):
            blk = i // (W // L)
            col = (i % (W // L)) * L
            v_ids = ids_v[b, blk, pl.ds(col, L)]
            out_v[b, blk, 0, pl.ds(col, L)] = plsc.load_gather(
                delta_v, [v_ids * 2])
            out_v[b, blk, 1, pl.ds(col, L)] = plsc.load_gather(
                delta_v, [v_ids * 2 + 1])

    ids_desc(0, 0).start()

    def ring_body(c2, carry):
        for b in (0, 1):
            c = c2 * 2 + b

            @pl.when(c + 1 < NCHUNK)
            def _start_next_ids():
                ids_desc(c + 1, 1 - b).start()

            ids_desc(c, b).wait()

            @pl.when(c >= 2)
            def _wait_prev_store():
                out_desc(c - 2, b).wait()

            fill(c, b)
            pltpu.async_copy(hp_hbm.at[idx_v.at[b]], out_v.at[b],
                             sadd[b], add=True)

            @pl.when(c >= 1)
            def _store_prev():
                add_desc(c - 1, 1 - b).wait()
                out_desc(c - 1, 1 - b).start()
        return carry

    lax.fori_loop(0, NCHUNK // 2, ring_body, 0)
    add_desc(NCHUNK - 1, 1).wait()
    out_desc(NCHUNK - 1, 1).start()
    out_desc(NCHUNK - 2, 0).wait()
    out_desc(NCHUNK - 1, 1).wait()


def kernel(handler_parameters, handler_parameter_ids, parameter_delta):
    hp_view = handler_parameters.reshape(NBLK, W, N_ATTRS).transpose(0, 2, 1)
    ids_view = handler_parameter_ids.reshape(NBLK, W)
    out_view = _sc_add_delta(hp_view, ids_view, parameter_delta)
    return out_view.transpose(0, 2, 1).reshape(M, N_ATTRS)

# --- scband reference (transcript-rebuilt; emitter-appended) ---
"""Pipeline reference for scband-smirnoffmodel-80917183857288 (READ-ONLY COPY).

The authoritative reference and input builder live on the scoring server;
editing this copy changes nothing except your own understanding.
"""

import jax, jax.numpy as jnp
import numpy as np

N_SMIRKS = 64
N_ATTRS = 2
M = 8388608


def setup_inputs(seed: int = 0) -> dict:
    key = jax.random.key(seed)
    k1, k2, k3 = jax.random.split(key, 3)
    # Vectorized handler parameters already applied to the system:
    # one row per applied parameter, columns = (epsilon, sigma).
    handler_parameters = jax.random.normal(k1, (M, N_ATTRS), dtype=jnp.float32)
    # For each applied row, which force-field parameter (smirks) produced it.
    handler_parameter_ids = jax.random.randint(k2, (M,), 0, N_SMIRKS, dtype=jnp.int32)
    # Learned parameter deltas: one per (smirks, attribute) pair, flattened
    # in the same order as self.parameter_delta (no covariance_tensor).
    parameter_delta = jax.random.normal(k3, (N_SMIRKS * N_ATTRS,), dtype=jnp.float32) * 0.01
    return {
        'handler_parameters': handler_parameters,
        'handler_parameter_ids': handler_parameter_ids,
        'parameter_delta': parameter_delta,
    }


def reference(handler_parameters, handler_parameter_ids, parameter_delta):
    # covariance_tensor is None -> delta used directly.
    # add_parameter_delta: broadcast each (smirks, attribute) delta onto every
    # applied parameter row carrying that smirks id, then add elementwise.
    delta2d = parameter_delta.reshape(N_SMIRKS, N_ATTRS)
    row_delta = jnp.take(delta2d, handler_parameter_ids, axis=0)  # gather [M, N_ATTRS]
    perturbed_parameters = handler_parameters + row_delta
    return perturbed_parameters

if __name__ == "__main__":
    import jax
    _d = setup_inputs()
    print(jax.jit(kernel)(*tuple(_d.values())))

</pallas_src>

<mosaic_0001>
#map = affine_map<(d0, d1) -> (0, 0, 0)>
#map1 = affine_map<(d0, d1) -> (0, 0)>
#map2 = affine_map<(d0, d1) -> (0)>
module attributes {stable_mosaic.version = 14 : i64} {
  func.func @_sc_add_delta(%arg0: i32, %arg1: i32, %arg2: memref<65536x2x128xf32, #tpu.memory_space<hbm>>, %arg3: memref<65536x128xi32, #tpu.memory_space<hbm>>, %arg4: memref<128xf32, #tpu.memory_space<hbm>>, %arg5: memref<65536x2x128xf32, #tpu.memory_space<hbm>>, %arg6: memref<128xf32, #tpu.memory_space<vmem>>, %arg7: memref<2x128x128xi32, #tpu.memory_space<vmem>>, %arg8: memref<2x128x2x128xf32, #tpu.memory_space<vmem>>, %arg9: memref<2x128xi32, #tpu.memory_space<vmem>>, %arg10: memref<!tpu.dma_semaphore, #tpu.memory_space<semaphore_mem>>, %arg11: memref<!tpu.dma_semaphore, #tpu.memory_space<semaphore_mem>>, %arg12: memref<!tpu.dma_semaphore, #tpu.memory_space<semaphore_mem>>, %arg13: memref<!tpu.dma_semaphore, #tpu.memory_space<semaphore_mem>>, %arg14: memref<!tpu.dma_semaphore, #tpu.memory_space<semaphore_mem>>, %arg15: memref<!tpu.dma_semaphore, #tpu.memory_space<semaphore_mem>>) attributes {dimension_semantics = [#tpu.dimension_semantics<core_parallel>, #tpu.dimension_semantics<subcore_parallel>], iteration_bounds = array<i64: 2, 16>, scalar_prefetch = 0 : i64, scratch_operands = 10 : i64, tpu.core_type = #tpu.core_type<sc_vector_subcore>, window_params = [{transform_indices = #map}, {transform_indices = #map1}, {transform_indices = #map2}, {transform_indices = #map}]} {
    %mul3A = arith.constant 2 : i32
    %mul3A_0 = arith.muli %arg1, %mul3A : i32
    %add3A = arith.addi %mul3A_0, %arg0 : i32
    "tpu.region"() ({
      %run_scoped3A = tpu.sem_alloc : memref<!tpu.dma_semaphore, #tpu.memory_space<semaphore_mem>>
      tpu.enqueue_dma source(%arg4 : memref<128xf32, #tpu.memory_space<hbm>>) target(%arg6 : memref<128xf32, #tpu.memory_space<vmem>>) target_semaphore(%run_scoped3A : memref<!tpu.dma_semaphore, #tpu.memory_space<semaphore_mem>>)
      tpu.wait_dma2 semaphore(%run_scoped3A : memref<!tpu.dma_semaphore, #tpu.memory_space<semaphore_mem>>) src(%arg4 : memref<128xf32, #tpu.memory_space<hbm>>) dst(%arg6 : memref<128xf32, #tpu.memory_space<vmem>>)
      tpu.yield
    }) : () -> ()
    %mul3A_1 = arith.constant 2048 : i32
    %mul3A_2 = arith.muli %add3A, %mul3A_1 : i32
    %iota3A = tpu.iota {dimensions = array<i32: 0>} : vector<16xi32>
    %add3A_3 = arith.constant 0 : i32
    %add3A_4 = arith.addi %mul3A_2, %add3A_3 : i32
    %dma_start3A = arith.constant 0 : i32
    %dma_start3A_5 = arith.constant 0 : i32
    %dma_start3A_6 = arith.constant 0 : i32
    %dma_start3A_7 = tpu.memref_slice %arg7[%dma_start3A, %dma_start3A_5, %dma_start3A_6] : memref<2x128x128xi32, #tpu.memory_space<vmem>> -> memref<1x128x128xi32, #tpu.memory_space<vmem>>
    %dma_start3A_8 = tpu.memref_squeeze %dma_start3A_7 : memref<1x128x128xi32, #tpu.memory_space<vmem>> -> memref<128x128xi32, #tpu.memory_space<vmem>>
    %dma_start3A_9 = arith.constant 0 : i32
    %dma_start3A_10 = tpu.memref_slice %arg3[%add3A_4, %dma_start3A_9] : memref<65536x128xi32, #tpu.memory_space<hbm>> -> memref<128x128xi32, #tpu.memory_space<hbm>>
    %dma_start3A_11 = arith.constant 0 : i32
    %dma_start3A_12 = arith.constant 0 : i32
    %dma_start3A_13 = tpu.memref_slice %arg7[%dma_start3A, %dma_start3A_11, %dma_start3A_12] : memref<2x128x128xi32, #tpu.memory_space<vmem>> -> memref<1x128x128xi32, #tpu.memory_space<vmem>>
    %dma_start3A_14 = tpu.memref_squeeze %dma_start3A_13 : memref<1x128x128xi32, #tpu.memory_space<vmem>> -> memref<128x128xi32, #tpu.memory_space<vmem>>
    %dma_start3A_15 = arith.constant 0 : i32
    %dma_start3A_16 = tpu.memref_slice %arg3[%add3A_4, %dma_start3A_15] : memref<65536x128xi32, #tpu.memory_space<hbm>> -> memref<128x128xi32, #tpu.memory_space<hbm>>
    tpu.enqueue_dma source(%dma_start3A_16 : memref<128x128xi32, #tpu.memory_space<hbm>>) target(%dma_start3A_14 : memref<128x128xi32, #tpu.memory_space<vmem>>) target_semaphore(%arg10 : memref<!tpu.dma_semaphore, #tpu.memory_space<semaphore_mem>>)
    %scan3A = arith.constant 0 : i32
    %scan3A_17 = arith.constant 0 : i32
    %scan3A_18 = arith.constant 8 : i32
    %scan3A_19 = arith.addi %scan3A_17, %scan3A_18 : i32
    %scan3A_20 = arith.constant 1 : i32
    scf.for %scan3A_92 = %scan3A_17 to %scan3A_19 step %scan3A_20  : i32 {
      %mul3A_93 = arith.constant 2 : i32
      %mul3A_94 = arith.muli %scan3A_92, %mul3A_93 : i32
      %add3A_95 = arith.constant 0 : i32
      %add3A_96 = arith.addi %mul3A_94, %add3A_95 : i32
      %add3A_97 = arith.constant 1 : i32
      %add3A_98 = arith.addi %add3A_96, %add3A_97 : i32
      %lt3A = arith.constant 16 : i32
      %lt3A_99 = arith.cmpi slt, %add3A_98, %lt3A : i32
      %convert_element_type3A = arith.extui %lt3A_99 : i1 to i32
      %cond3A = arith.constant 0 : i32
      %cond3A_100 = arith.cmpi ne, %convert_element_type3A, %cond3A : i32
      scf.if %cond3A_100 {
        %add3A_208 = arith.constant 1 : i32
        %add3A_209 = arith.addi %add3A_96, %add3A_208 : i32
        %mul3A_210 = arith.constant 128 : i32
        %mul3A_211 = arith.muli %add3A_209, %mul3A_210 : i32
        %add3A_212 = arith.addi %mul3A_2, %mul3A_211 : i32
        %dma_start3A_213 = arith.constant 1 : i32
        %dma_start3A_214 = arith.constant 0 : i32
        %dma_start3A_215 = arith.constant 0 : i32
        %dma_start3A_216 = tpu.memref_slice %arg7[%dma_start3A_213, %dma_start3A_214, %dma_start3A_215] : memref<2x128x128xi32, #tpu.memory_space<vmem>> -> memref<1x128x128xi32, #tpu.memory_space<vmem>>
        %dma_start3A_217 = tpu.memref_squeeze %dma_start3A_216 : memref<1x128x128xi32, #tpu.memory_space<vmem>> -> memref<128x128xi32, #tpu.memory_space<vmem>>
        %dma_start3A_218 = arith.constant 0 : i32
        %dma_start3A_219 = tpu.memref_slice %arg3[%add3A_212, %dma_start3A_218] : memref<65536x128xi32, #tpu.memory_space<hbm>> -> memref<128x128xi32, #tpu.memory_space<hbm>>
        %dma_start3A_220 = arith.constant 0 : i32
        %dma_start3A_221 = arith.constant 0 : i32
        %dma_start3A_222 = tpu.memref_slice %arg7[%dma_start3A_213, %dma_start3A_220, %dma_start3A_221] : memref<2x128x128xi32, #tpu.memory_space<vmem>> -> memref<1x128x128xi32, #tpu.memory_space<vmem>>
        %dma_start3A_223 = tpu.memref_squeeze %dma_start3A_222 : memref<1x128x128xi32, #tpu.memory_space<vmem>> -> memref<128x128xi32, #tpu.memory_space<vmem>>
        %dma_start3A_224 = arith.constant 0 : i32
        %dma_start3A_225 = tpu.memref_slice %arg3[%add3A_212, %dma_start3A_224] : memref<65536x128xi32, #tpu.memory_space<hbm>> -> memref<128x128xi32, #tpu.memory_space<hbm>>
        tpu.enqueue_dma source(%dma_start3A_225 : memref<128x128xi32, #tpu.memory_space<hbm>>) target(%dma_start3A_223 : memref<128x128xi32, #tpu.memory_space<vmem>>) target_semaphore(%arg11 : memref<!tpu.dma_semaphore, #tpu.memory_space<semaphore_mem>>)
      } else {
      }
      %mul3A_101 = arith.constant 128 : i32
      %mul3A_102 = arith.muli %add3A_96, %mul3A_101 : i32
      %add3A_103 = arith.addi %mul3A_2, %mul3A_102 : i32
      %dma_wait3A_104 = arith.constant 0 : i32
      %dma_wait3A_105 = arith.constant 0 : i32
      %dma_wait3A_106 = arith.constant 0 : i32
      %dma_wait3A_107 = tpu.memref_slice %arg7[%dma_wait3A_104, %dma_wait3A_105, %dma_wait3A_106] : memref<2x128x128xi32, #tpu.memory_space<vmem>> -> memref<1x128x128xi32, #tpu.memory_space<vmem>>
      %dma_wait3A_108 = tpu.memref_squeeze %dma_wait3A_107 : memref<1x128x128xi32, #tpu.memory_space<vmem>> -> memref<128x128xi32, #tpu.memory_space<vmem>>
      %dma_wait3A_109 = arith.constant 0 : i32
      %dma_wait3A_110 = tpu.memref_slice %arg3[%add3A_103, %dma_wait3A_109] : memref<65536x128xi32, #tpu.memory_space<hbm>> -> memref<128x128xi32, #tpu.memory_space<hbm>>
      %dma_wait3A_111 = arith.constant 0 : i32
      %dma_wait3A_112 = arith.constant 0 : i32
      %dma_wait3A_113 = tpu.memref_slice %arg7[%dma_wait3A_104, %dma_wait3A_111, %dma_wait3A_112] : memref<2x128x128xi32, #tpu.memory_space<vmem>> -> memref<1x128x128xi32, #tpu.memory_space<vmem>>
      %dma_wait3A_114 = tpu.memref_squeeze %dma_wait3A_113 : memref<1x128x128xi32, #tpu.memory_space<vmem>> -> memref<128x128xi32, #tpu.memory_space<vmem>>
      %dma_wait3A_115 = arith.constant 0 : i32
      %dma_wait3A_116 = tpu.memref_slice %arg3[%add3A_103, %dma_wait3A_115] : memref<65536x128xi32, #tpu.memory_space<hbm>> -> memref<128x128xi32, #tpu.memory_space<hbm>>
      tpu.wait_dma2 semaphore(%arg10 : memref<!tpu.dma_semaphore, #tpu.memory_space<semaphore_mem>>) src(%dma_wait3A_116 : memref<128x128xi32, #tpu.memory_space<hbm>>) dst(%dma_wait3A_114 : memref<128x128xi32, #tpu.memory_space<vmem>>)
      %ge3A = arith.constant 2 : i32
      %ge3A_117 = arith.cmpi sge, %add3A_96, %ge3A : i32
      %convert_element_type3A_118 = arith.extui %ge3A_117 : i1 to i32
      %cond3A_119 = arith.constant 0 : i32
      %cond3A_120 = arith.cmpi ne, %convert_element_type3A_118, %cond3A_119 : i32
      scf.if %cond3A_120 {
        %sub3A = arith.constant 2 : i32
        %sub3A_208 = arith.subi %add3A_96, %sub3A : i32
        %mul3A_209 = arith.constant 128 : i32
        %mul3A_210 = arith.muli %sub3A_208, %mul3A_209 : i32
        %add3A_211 = arith.addi %mul3A_2, %mul3A_210 : i32
        %dma_wait3A_212 = arith.constant 0 : i32
        %dma_wait3A_213 = arith.constant 0 : i32
        %dma_wait3A_214 = arith.constant 0 : i32
        %dma_wait3A_215 = arith.constant 0 : i32
        %dma_wait3A_216 = tpu.memref_slice %arg8[%dma_wait3A_212, %dma_wait3A_213, %dma_wait3A_214, %dma_wait3A_215] : memref<2x128x2x128xf32, #tpu.memory_space<vmem>> -> memref<1x128x2x128xf32, #tpu.memory_space<vmem>>
        %dma_wait3A_217 = tpu.memref_squeeze %dma_wait3A_216 : memref<1x128x2x128xf32, #tpu.memory_space<vmem>> -> memref<128x2x128xf32, #tpu.memory_space<vmem>>
        %dma_wait3A_218 = arith.constant 0 : i32
        %dma_wait3A_219 = arith.constant 0 : i32
        %dma_wait3A_220 = tpu.memref_slice %arg5[%add3A_211, %dma_wait3A_218, %dma_wait3A_219] : memref<65536x2x128xf32, #tpu.memory_space<hbm>> -> memref<128x2x128xf32, #tpu.memory_space<hbm>>
        %dma_wait3A_221 = arith.constant 0 : i32
        %dma_wait3A_222 = arith.constant 0 : i32
        %dma_wait3A_223 = tpu.memref_slice %arg5[%add3A_211, %dma_wait3A_221, %dma_wait3A_222] : memref<65536x2x128xf32, #tpu.memory_space<hbm>> -> memref<128x2x128xf32, #tpu.memory_space<hbm>>
        %dma_wait3A_224 = arith.constant 0 : i32
        %dma_wait3A_225 = arith.constant 0 : i32
        %dma_wait3A_226 = arith.constant 0 : i32
        %dma_wait3A_227 = tpu.memref_slice %arg8[%dma_wait3A_212, %dma_wait3A_224, %dma_wait3A_225, %dma_wait3A_226] : memref<2x128x2x128xf32, #tpu.memory_space<vmem>> -> memref<1x128x2x128xf32, #tpu.memory_space<vmem>>
        %dma_wait3A_228 = tpu.memref_squeeze %dma_wait3A_227 : memref<1x128x2x128xf32, #tpu.memory_space<vmem>> -> memref<128x2x128xf32, #tpu.memory_space<vmem>>
        tpu.wait_dma2 semaphore(%arg14 : memref<!tpu.dma_semaphore, #tpu.memory_space<semaphore_mem>>) src(%dma_wait3A_228 : memref<128x2x128xf32, #tpu.memory_space<vmem>>) dst(%dma_wait3A_223 : memref<128x2x128xf32, #tpu.memory_space<hbm>>)
      } else {
      }
      %mul3A_121 = arith.constant 128 : i32
      %mul3A_122 = arith.muli %add3A_96, %mul3A_121 : i32
      %add3A_123 = arith.addi %mul3A_2, %mul3A_122 : i32
      %parallel_loop3A = arith.constant 0 : i32
      %parallel_loop3A_124 = arith.constant 8 : i32
      %parallel_loop3A_125 = arith.constant 1 : i32
      scf.for %parallel_loop3A_208 = %parallel_loop3A to %parallel_loop3A_124 step %parallel_loop3A_125  : i32 {
        %parallel_loop3A_209 = arith.constant 16 : i32
        %parallel_loop3A_210 = arith.muli %parallel_loop3A_208, %parallel_loop3A_209 : i32
        %parallel_loop3A_211 = arith.addi %add3A_123, %parallel_loop3A_210 : i32
        %parallel_loop3A_212 = vector.broadcast %parallel_loop3A_211 : i32 to vector<16xi32>
        %parallel_loop3A_213 = arith.addi %iota3A, %parallel_loop3A_212 : vector<16xi32>
        %parallel_loop3A_214 = arith.constant 16 : i32
        %parallel_loop3A_215 = arith.muli %parallel_loop3A_208, %parallel_loop3A_214 : i32
        %parallel_loop3A_216 = arith.constant 0 : i32
        %parallel_loop3A_217 = arith.index_cast %parallel_loop3A_216 : i32 to index
        %parallel_loop3A_218 = arith.index_cast %parallel_loop3A_215 : i32 to index
        %parallel_loop3A_219 = tpu.vector_load %arg9[%parallel_loop3A_217, %parallel_loop3A_218] {strides = array<i32>} : memref<2x128xi32, #tpu.memory_space<vmem>>, vector<16xi32>,
        tpu.vector_store %arg9[%parallel_loop3A_217, %parallel_loop3A_218], %parallel_loop3A_213 {strides = array<i32>} : memref<2x128xi32, #tpu.memory_space<vmem>>, vector<16xi32>,
      } {sc.loop_unroll_factor = 2 : i64, sc.parallel_access}
      %parallel_loop3A_126 = arith.constant 0 : i32
      %parallel_loop3A_127 = arith.constant 1024 : i32
      %parallel_loop3A_128 = arith.constant 1 : i32
      scf.for %parallel_loop3A_208 = %parallel_loop3A_126 to %parallel_loop3A_127 step %parallel_loop3A_128  : i32 {
        %parallel_loop3A_209 = arith.constant 8 : i32
        %parallel_loop3A_210 = arith.divsi %parallel_loop3A_208, %parallel_loop3A_209 : i32
        %parallel_loop3A_211 = arith.constant 0 : i32
        %parallel_loop3A_212 = arith.cmpi sgt, %parallel_loop3A_208, %parallel_loop3A_211 : i32
        %parallel_loop3A_213 = arith.extui %parallel_loop3A_212 : i1 to i32
        %parallel_loop3A_214 = arith.constant 0 : i32
        %parallel_loop3A_215 = arith.cmpi slt, %parallel_loop3A_208, %parallel_loop3A_214 : i32
        %parallel_loop3A_216 = arith.extui %parallel_loop3A_215 : i1 to i32
        %parallel_loop3A_217 = arith.subi %parallel_loop3A_213, %parallel_loop3A_216 : i32
        %parallel_loop3A_218 = arith.constant 0 : i32
        %parallel_loop3A_219 = arith.cmpi sgt, %parallel_loop3A_209, %parallel_loop3A_218 : i32
        %parallel_loop3A_220 = arith.extui %parallel_loop3A_219 : i1 to i32
        %parallel_loop3A_221 = arith.constant 0 : i32
        %parallel_loop3A_222 = arith.cmpi slt, %parallel_loop3A_209, %parallel_loop3A_221 : i32
        %parallel_loop3A_223 = arith.extui %parallel_loop3A_222 : i1 to i32
        %parallel_loop3A_224 = arith.subi %parallel_loop3A_220, %parallel_loop3A_223 : i32
        %parallel_loop3A_225 = arith.cmpi ne, %parallel_loop3A_217, %parallel_loop3A_224 : i32
        %parallel_loop3A_226 = arith.remsi %parallel_loop3A_208, %parallel_loop3A_209 : i32
        %parallel_loop3A_227 = arith.constant 0 : i32
        %parallel_loop3A_228 = arith.cmpi ne, %parallel_loop3A_226, %parallel_loop3A_227 : i32
        %parallel_loop3A_229 = arith.andi %parallel_loop3A_225, %parallel_loop3A_228 : i1
        %parallel_loop3A_230 = arith.constant 1 : i32
        %parallel_loop3A_231 = arith.subi %parallel_loop3A_210, %parallel_loop3A_230 : i32
        %parallel_loop3A_232 = arith.select %parallel_loop3A_229, %parallel_loop3A_231, %parallel_loop3A_210 : i32
        %parallel_loop3A_233 = arith.constant 8 : i32
        %parallel_loop3A_234 = arith.constant 0 : i32
        %parallel_loop3A_235 = arith.cmpi eq, %parallel_loop3A_233, %parallel_loop3A_234 : i32
        %parallel_loop3A_236 = arith.constant 1 : i32
        %parallel_loop3A_237 = arith.select %parallel_loop3A_235, %parallel_loop3A_236, %parallel_loop3A_233 : i32
        %parallel_loop3A_238 = arith.remsi %parallel_loop3A_208, %parallel_loop3A_237 : i32
        %parallel_loop3A_239 = arith.constant 0 : i32
        %parallel_loop3A_240 = arith.cmpi ne, %parallel_loop3A_238, %parallel_loop3A_239 : i32
        %parallel_loop3A_241 = arith.constant 0 : i32
        %parallel_loop3A_242 = arith.cmpi slt, %parallel_loop3A_238, %parallel_loop3A_241 : i32
        %parallel_loop3A_243 = arith.constant 0 : i32
        %parallel_loop3A_244 = arith.cmpi slt, %parallel_loop3A_237, %parallel_loop3A_243 : i32
        %parallel_loop3A_245 = arith.xori %parallel_loop3A_242, %parallel_loop3A_244 : i1
        %parallel_loop3A_246 = arith.andi %parallel_loop3A_245, %parallel_loop3A_240 : i1
        %parallel_loop3A_247 = arith.addi %parallel_loop3A_238, %parallel_loop3A_237 : i32
        %parallel_loop3A_248 = arith.select %parallel_loop3A_246, %parallel_loop3A_247, %parallel_loop3A_238 : i32
        %parallel_loop3A_249 = arith.constant 16 : i32
        %parallel_loop3A_250 = arith.muli %parallel_loop3A_248, %parallel_loop3A_249 : i32
        %parallel_loop3A_251 = arith.constant 0 : i32
        %parallel_loop3A_252 = arith.index_cast %parallel_loop3A_251 : i32 to index
        %parallel_loop3A_253 = arith.index_cast %parallel_loop3A_232 : i32 to index
        %parallel_loop3A_254 = arith.index_cast %parallel_loop3A_250 : i32 to index
        %parallel_loop3A_255 = tpu.vector_load %arg7[%parallel_loop3A_252, %parallel_loop3A_253, %parallel_loop3A_254] {strides = array<i32>} : memref<2x128x128xi32, #tpu.memory_space<vmem>>, vector<16xi32>,
        %parallel_loop3A_256 = arith.constant 2 : i32
        %parallel_loop3A_257 = vector.broadcast %parallel_loop3A_256 : i32 to vector<16xi32>
        %parallel_loop3A_258 = arith.muli %parallel_loop3A_255, %parallel_loop3A_257 : vector<16xi32>
        %parallel_loop3A_259 = tpu.vector_load_idx %arg6[%parallel_loop3A_258] : memref<128xf32, #tpu.memory_space<vmem>>[vector<16xi32>], vector<16xf32>,
        %parallel_loop3A_260 = arith.constant 0 : i32
        %parallel_loop3A_261 = arith.constant 0 : i32
        %parallel_loop3A_262 = arith.index_cast %parallel_loop3A_260 : i32 to index
        %parallel_loop3A_263 = arith.index_cast %parallel_loop3A_232 : i32 to index
        %parallel_loop3A_264 = arith.index_cast %parallel_loop3A_261 : i32 to index
        %parallel_loop3A_265 = arith.index_cast %parallel_loop3A_250 : i32 to index
        %parallel_loop3A_266 = tpu.vector_load %arg8[%parallel_loop3A_262, %parallel_loop3A_263, %parallel_loop3A_264, %parallel_loop3A_265] {strides = array<i32>} : memref<2x128x2x128xf32, #tpu.memory_space<vmem>>, vector<16xf32>,
        tpu.vector_store %arg8[%parallel_loop3A_262, %parallel_loop3A_263, %parallel_loop3A_264, %parallel_loop3A_265], %parallel_loop3A_259 {strides = array<i32>} : memref<2x128x2x128xf32, #tpu.memory_space<vmem>>, vector<16xf32>,
        %parallel_loop3A_267 = arith.constant 2 : i32
        %parallel_loop3A_268 = vector.broadcast %parallel_loop3A_267 : i32 to vector<16xi32>
        %parallel_loop3A_269 = arith.muli %parallel_loop3A_255, %parallel_loop3A_268 : vector<16xi32>
        %parallel_loop3A_270 = arith.constant 1 : i32
        %parallel_loop3A_271 = vector.broadcast %parallel_loop3A_270 : i32 to vector<16xi32>
        %parallel_loop3A_272 = arith.addi %parallel_loop3A_269, %parallel_loop3A_271 : vector<16xi32>
        %parallel_loop3A_273 = tpu.vector_load_idx %arg6[%parallel_loop3A_272] : memref<128xf32, #tpu.memory_space<vmem>>[vector<16xi32>], vector<16xf32>,
        %parallel_loop3A_274 = arith.constant 0 : i32
        %parallel_loop3A_275 = arith.constant 1 : i32
        %parallel_loop3A_276 = arith.index_cast %parallel_loop3A_274 : i32 to index
        %parallel_loop3A_277 = arith.index_cast %parallel_loop3A_232 : i32 to index
        %parallel_loop3A_278 = arith.index_cast %parallel_loop3A_275 : i32 to index
        %parallel_loop3A_279 = arith.index_cast %parallel_loop3A_250 : i32 to index
        %parallel_loop3A_280 = tpu.vector_load %arg8[%parallel_loop3A_276, %parallel_loop3A_277, %parallel_loop3A_278, %parallel_loop3A_279] {strides = array<i32>} : memref<2x128x2x128xf32, #tpu.memory_space<vmem>>, vector<16xf32>,
        tpu.vector_store %arg8[%parallel_loop3A_276, %parallel_loop3A_277, %parallel_loop3A_278, %parallel_loop3A_279], %parallel_loop3A_273 {strides = array<i32>} : memref<2x128x2x128xf32, #tpu.memory_space<vmem>>, vector<16xf32>,
      } {sc.loop_unroll_factor = 8 : i64, sc.parallel_access}
      %dma_start3A_129 = arith.constant 0 : i32
      %dma_start3A_130 = arith.constant 0 : i32
      %dma_start3A_131 = arith.constant 0 : i32
      %dma_start3A_132 = arith.constant 0 : i32
      %dma_start3A_133 = arith.constant 0 : i32
      %dma_start3A_134 = tpu.memref_slice %arg8[%dma_start3A_130, %dma_start3A_131, %dma_start3A_132, %dma_start3A_133] : memref<2x128x2x128xf32, #tpu.memory_space<vmem>> -> memref<1x128x2x128xf32, #tpu.memory_space<vmem>>
      %dma_start3A_135 = tpu.memref_squeeze %dma_start3A_134 : memref<1x128x2x128xf32, #tpu.memory_space<vmem>> -> memref<128x2x128xf32, #tpu.memory_space<vmem>>
      %dma_start3A_136 = arith.constant 0 : i32
      %dma_start3A_137 = tpu.memref_slice %arg9[%dma_start3A_129, %dma_start3A_136] : memref<2x128xi32, #tpu.memory_space<vmem>> -> memref<1x128xi32, #tpu.memory_space<vmem>>
      %dma_start3A_138 = tpu.memref_squeeze %dma_start3A_137 : memref<1x128xi32, #tpu.memory_space<vmem>> -> memref<128xi32, #tpu.memory_space<vmem>>
      %dma_start3A_139 = arith.constant 0 : i32
      %dma_start3A_140 = arith.constant 0 : i32
      %dma_start3A_141 = arith.constant 0 : i32
      %dma_start3A_142 = tpu.memref_slice %arg2[%dma_start3A_139, %dma_start3A_140, %dma_start3A_141] : memref<65536x2x128xf32, #tpu.memory_space<hbm>> -> memref<65536x2x128xf32, #tpu.memory_space<hbm>>
      tpu.enqueue_indirect_dma source(%dma_start3A_142 : memref<65536x2x128xf32, #tpu.memory_space<hbm>>) target(%dma_start3A_135 : memref<128x2x128xf32, #tpu.memory_space<vmem>>) offsets(%dma_start3A_138 : memref<128xi32, #tpu.memory_space<vmem>>) semaphore(%arg12 : memref<!tpu.dma_semaphore, #tpu.memory_space<semaphore_mem>>) {add = true}
      %ge3A_143 = arith.constant 1 : i32
      %ge3A_144 = arith.cmpi sge, %add3A_96, %ge3A_143 : i32
      %convert_element_type3A_145 = arith.extui %ge3A_144 : i1 to i32
      %cond3A_146 = arith.constant 0 : i32
      %cond3A_147 = arith.cmpi ne, %convert_element_type3A_145, %cond3A_146 : i32
      scf.if %cond3A_147 {
        %sub3A = arith.constant 1 : i32
        %sub3A_208 = arith.subi %add3A_96, %sub3A : i32
        %dma_wait3A_209 = arith.constant 1 : i32
        %dma_wait3A_210 = arith.constant 1 : i32
        %dma_wait3A_211 = arith.constant 0 : i32
        %dma_wait3A_212 = arith.constant 0 : i32
        %dma_wait3A_213 = arith.constant 0 : i32
        %dma_wait3A_214 = tpu.memref_slice %arg8[%dma_wait3A_210, %dma_wait3A_211, %dma_wait3A_212, %dma_wait3A_213] : memref<2x128x2x128xf32, #tpu.memory_space<vmem>> -> memref<1x128x2x128xf32, #tpu.memory_space<vmem>>
        %dma_wait3A_215 = tpu.memref_squeeze %dma_wait3A_214 : memref<1x128x2x128xf32, #tpu.memory_space<vmem>> -> memref<128x2x128xf32, #tpu.memory_space<vmem>>
        %dma_wait3A_216 = arith.constant 0 : i32
        %dma_wait3A_217 = tpu.memref_slice %arg9[%dma_wait3A_209, %dma_wait3A_216] : memref<2x128xi32, #tpu.memory_space<vmem>> -> memref<1x128xi32, #tpu.memory_space<vmem>>
        %dma_wait3A_218 = tpu.memref_squeeze %dma_wait3A_217 : memref<1x128xi32, #tpu.memory_space<vmem>> -> memref<128xi32, #tpu.memory_space<vmem>>
        %dma_wait3A_219 = arith.constant 0 : i32
        %dma_wait3A_220 = arith.constant 0 : i32
        %dma_wait3A_221 = arith.constant 0 : i32
        %dma_wait3A_222 = tpu.memref_slice %arg2[%dma_wait3A_219, %dma_wait3A_220, %dma_wait3A_221] : memref<65536x2x128xf32, #tpu.memory_space<hbm>> -> memref<65536x2x128xf32, #tpu.memory_space<hbm>>
        tpu.wait_indirect_dma semaphore(%arg13 : memref<!tpu.dma_semaphore, #tpu.memory_space<semaphore_mem>>) src(%dma_wait3A_222 : memref<65536x2x128xf32, #tpu.memory_space<hbm>>) dst(%dma_wait3A_215 : memref<128x2x128xf32, #tpu.memory_space<vmem>>)
        %sub3A_223 = arith.constant 1 : i32
        %sub3A_224 = arith.subi %add3A_96, %sub3A_223 : i32
        %mul3A_225 = arith.constant 128 : i32
        %mul3A_226 = arith.muli %sub3A_224, %mul3A_225 : i32
        %add3A_227 = arith.addi %mul3A_2, %mul3A_226 : i32
        %dma_start3A_228 = arith.constant 1 : i32
        %dma_start3A_229 = arith.constant 0 : i32
        %dma_start3A_230 = arith.constant 0 : i32
        %dma_start3A_231 = arith.constant 0 : i32
        %dma_start3A_232 = tpu.memref_slice %arg8[%dma_start3A_228, %dma_start3A_229, %dma_start3A_230, %dma_start3A_231] : memref<2x128x2x128xf32, #tpu.memory_space<vmem>> -> memref<1x128x2x128xf32, #tpu.memory_space<vmem>>
        %dma_start3A_233 = tpu.memref_squeeze %dma_start3A_232 : memref<1x128x2x128xf32, #tpu.memory_space<vmem>> -> memref<128x2x128xf32, #tpu.memory_space<vmem>>
        %dma_start3A_234 = arith.constant 0 : i32
        %dma_start3A_235 = arith.constant 0 : i32
        %dma_start3A_236 = tpu.memref_slice %arg5[%add3A_227, %dma_start3A_234, %dma_start3A_235] : memref<65536x2x128xf32, #tpu.memory_space<hbm>> -> memref<128x2x128xf32, #tpu.memory_space<hbm>>
        %dma_start3A_237 = arith.constant 0 : i32
        %dma_start3A_238 = arith.constant 0 : i32
        %dma_start3A_239 = tpu.memref_slice %arg5[%add3A_227, %dma_start3A_237, %dma_start3A_238] : memref<65536x2x128xf32, #tpu.memory_space<hbm>> -> memref<128x2x128xf32, #tpu.memory_space<hbm>>
        %dma_start3A_240 = arith.constant 0 : i32
        %dma_start3A_241 = arith.constant 0 : i32
        %dma_start3A_242 = arith.constant 0 : i32
        %dma_start3A_243 = tpu.memref_slice %arg8[%dma_start3A_228, %dma_start3A_240, %dma_start3A_241, %dma_start3A_242] : memref<2x128x2x128xf32, #tpu.memory_space<vmem>> -> memref<1x128x2x128xf32, #tpu.memory_space<vmem>>
        %dma_start3A_244 = tpu.memref_squeeze %dma_start3A_243 : memref<1x128x2x128xf32, #tpu.memory_space<vmem>> -> memref<128x2x128xf32, #tpu.memory_space<vmem>>
        tpu.enqueue_dma source(%dma_start3A_244 : memref<128x2x128xf32, #tpu.memory_space<vmem>>) target(%dma_start3A_239 : memref<128x2x128xf32, #tpu.memory_space<hbm>>) target_semaphore(%arg15 : memref<!tpu.dma_semaphore, #tpu.memory_space<semaphore_mem>>)
      } else {
      }
      %mul3A_148 = arith.constant 2 : i32
      %mul3A_149 = arith.muli %scan3A_92, %mul3A_148 : i32
      %add3A_150 = arith.constant 1 : i32
      %add3A_151 = arith.addi %mul3A_149, %add3A_150 : i32
      %add3A_152 = arith.constant 1 : i32
      %add3A_153 = arith.addi %add3A_151, %add3A_152 : i32
      %lt3A_154 = arith.constant 16 : i32
      %lt3A_155 = arith.cmpi slt, %add3A_153, %lt3A_154 : i32
      %convert_element_type3A_156 = arith.extui %lt3A_155 : i1 to i32
      %cond3A_157 = arith.constant 0 : i32
      %cond3A_158 = arith.cmpi ne, %convert_element_type3A_156, %cond3A_157 : i32
      scf.if %cond3A_158 {
        %add3A_208 = arith.constant 1 : i32
        %add3A_209 = arith.addi %add3A_151, %add3A_208 : i32
        %mul3A_210 = arith.constant 128 : i32
        %mul3A_211 = arith.muli %add3A_209, %mul3A_210 : i32
        %add3A_212 = arith.addi %mul3A_2, %mul3A_211 : i32
        %dma_start3A_213 = arith.constant 0 : i32
        %dma_start3A_214 = arith.constant 0 : i32
        %dma_start3A_215 = arith.constant 0 : i32
        %dma_start3A_216 = tpu.memref_slice %arg7[%dma_start3A_213, %dma_start3A_214, %dma_start3A_215] : memref<2x128x128xi32, #tpu.memory_space<vmem>> -> memref<1x128x128xi32, #tpu.memory_space<vmem>>
        %dma_start3A_217 = tpu.memref_squeeze %dma_start3A_216 : memref<1x128x128xi32, #tpu.memory_space<vmem>> -> memref<128x128xi32, #tpu.memory_space<vmem>>
        %dma_start3A_218 = arith.constant 0 : i32
        %dma_start3A_219 = tpu.memref_slice %arg3[%add3A_212, %dma_start3A_218] : memref<65536x128xi32, #tpu.memory_space<hbm>> -> memref<128x128xi32, #tpu.memory_space<hbm>>
        %dma_start3A_220 = arith.constant 0 : i32
        %dma_start3A_221 = arith.constant 0 : i32
        %dma_start3A_222 = tpu.memref_slice %arg7[%dma_start3A_213, %dma_start3A_220, %dma_start3A_221] : memref<2x128x128xi32, #tpu.memory_space<vmem>> -> memref<1x128x128xi32, #tpu.memory_space<vmem>>
        %dma_start3A_223 = tpu.memref_squeeze %dma_start3A_222 : memref<1x128x128xi32, #tpu.memory_space<vmem>> -> memref<128x128xi32, #tpu.memory_space<vmem>>
        %dma_start3A_224 = arith.constant 0 : i32
        %dma_start3A_225 = tpu.memref_slice %arg3[%add3A_212, %dma_start3A_224] : memref<65536x128xi32, #tpu.memory_space<hbm>> -> memref<128x128xi32, #tpu.memory_space<hbm>>
        tpu.enqueue_dma source(%dma_start3A_225 : memref<128x128xi32, #tpu.memory_space<hbm>>) target(%dma_start3A_223 : memref<128x128xi32, #tpu.memory_space<vmem>>) target_semaphore(%arg10 : memref<!tpu.dma_semaphore, #tpu.memory_space<semaphore_mem>>)
      } else {
      }
      %mul3A_159 = arith.constant 128 : i32
      %mul3A_160 = arith.muli %add3A_151, %mul3A_159 : i32
      %add3A_161 = arith.addi %mul3A_2, %mul3A_160 : i32
      %dma_wait3A_162 = arith.constant 1 : i32
      %dma_wait3A_163 = arith.constant 0 : i32
      %dma_wait3A_164 = arith.constant 0 : i32
      %dma_wait3A_165 = tpu.memref_slice %arg7[%dma_wait3A_162, %dma_wait3A_163, %dma_wait3A_164] : memref<2x128x128xi32, #tpu.memory_space<vmem>> -> memref<1x128x128xi32, #tpu.memory_space<vmem>>
      %dma_wait3A_166 = tpu.memref_squeeze %dma_wait3A_165 : memref<1x128x128xi32, #tpu.memory_space<vmem>> -> memref<128x128xi32, #tpu.memory_space<vmem>>
      %dma_wait3A_167 = arith.constant 0 : i32
      %dma_wait3A_168 = tpu.memref_slice %arg3[%add3A_161, %dma_wait3A_167] : memref<65536x128xi32, #tpu.memory_space<hbm>> -> memref<128x128xi32, #tpu.memory_space<hbm>>
      %dma_wait3A_169 = arith.constant 0 : i32
      %dma_wait3A_170 = arith.constant 0 : i32
      %dma_wait3A_171 = tpu.memref_slice %arg7[%dma_wait3A_162, %dma_wait3A_169, %dma_wait3A_170] : memref<2x128x128xi32, #tpu.memory_space<vmem>> -> memref<1x128x128xi32, #tpu.memory_space<vmem>>
      %dma_wait3A_172 = tpu.memref_squeeze %dma_wait3A_171 : memref<1x128x128xi32, #tpu.memory_space<vmem>> -> memref<128x128xi32, #tpu.memory_space<vmem>>
      %dma_wait3A_173 = arith.constant 0 : i32
      %dma_wait3A_174 = tpu.memref_slice %arg3[%add3A_161, %dma_wait3A_173] : memref<65536x128xi32, #tpu.memory_space<hbm>> -> memref<128x128xi32, #tpu.memory_space<hbm>>
      tpu.wait_dma2 semaphore(%arg11 : memref<!tpu.dma_semaphore, #tpu.memory_space<semaphore_mem>>) src(%dma_wait3A_174 : memref<128x128xi32, #tpu.memory_space<hbm>>) dst(%dma_wait3A_172 : memref<128x128xi32, #tpu.memory_space<vmem>>)
      %ge3A_175 = arith.constant 2 : i32
      %ge3A_176 = arith.cmpi sge, %add3A_151, %ge3A_175 : i32
      %convert_element_type3A_177 = arith.extui %ge3A_176 : i1 to i32
      %cond3A_178 = arith.constant 0 : i32
      %cond3A_179 = arith.cmpi ne, %convert_element_type3A_177, %cond3A_178 : i32
      scf.if %cond3A_179 {
        %sub3A = arith.constant 2 : i32
        %sub3A_208 = arith.subi %add3A_151, %sub3A : i32
        %mul3A_209 = arith.constant 128 : i32
        %mul3A_210 = arith.muli %sub3A_208, %mul3A_209 : i32
        %add3A_211 = arith.addi %mul3A_2, %mul3A_210 : i32
        %dma_wait3A_212 = arith.constant 1 : i32
        %dma_wait3A_213 = arith.constant 0 : i32
        %dma_wait3A_214 = arith.constant 0 : i32
        %dma_wait3A_215 = arith.constant 0 : i32
        %dma_wait3A_216 = tpu.memref_slice %arg8[%dma_wait3A_212, %dma_wait3A_213, %dma_wait3A_214, %dma_wait3A_215] : memref<2x128x2x128xf32, #tpu.memory_space<vmem>> -> memref<1x128x2x128xf32, #tpu.memory_space<vmem>>
        %dma_wait3A_217 = tpu.memref_squeeze %dma_wait3A_216 : memref<1x128x2x128xf32, #tpu.memory_space<vmem>> -> memref<128x2x128xf32, #tpu.memory_space<vmem>>
        %dma_wait3A_218 = arith.constant 0 : i32
        %dma_wait3A_219 = arith.constant 0 : i32
        %dma_wait3A_220 = tpu.memref_slice %arg5[%add3A_211, %dma_wait3A_218, %dma_wait3A_219] : memref<65536x2x128xf32, #tpu.memory_space<hbm>> -> memref<128x2x128xf32, #tpu.memory_space<hbm>>
        %dma_wait3A_221 = arith.constant 0 : i32
        %dma_wait3A_222 = arith.constant 0 : i32
        %dma_wait3A_223 = tpu.memref_slice %arg5[%add3A_211, %dma_wait3A_221, %dma_wait3A_222] : memref<65536x2x128xf32, #tpu.memory_space<hbm>> -> memref<128x2x128xf32, #tpu.memory_space<hbm>>
        %dma_wait3A_224 = arith.constant 0 : i32
        %dma_wait3A_225 = arith.constant 0 : i32
        %dma_wait3A_226 = arith.constant 0 : i32
        %dma_wait3A_227 = tpu.memref_slice %arg8[%dma_wait3A_212, %dma_wait3A_224, %dma_wait3A_225, %dma_wait3A_226] : memref<2x128x2x128xf32, #tpu.memory_space<vmem>> -> memref<1x128x2x128xf32, #tpu.memory_space<vmem>>
        %dma_wait3A_228 = tpu.memref_squeeze %dma_wait3A_227 : memref<1x128x2x128xf32, #tpu.memory_space<vmem>> -> memref<128x2x128xf32, #tpu.memory_space<vmem>>
        tpu.wait_dma2 semaphore(%arg15 : memref<!tpu.dma_semaphore, #tpu.memory_space<semaphore_mem>>) src(%dma_wait3A_228 : memref<128x2x128xf32, #tpu.memory_space<vmem>>) dst(%dma_wait3A_223 : memref<128x2x128xf32, #tpu.memory_space<hbm>>)
      } else {
      }
      %mul3A_180 = arith.constant 128 : i32
      %mul3A_181 = arith.muli %add3A_151, %mul3A_180 : i32
      %add3A_182 = arith.addi %mul3A_2, %mul3A_181 : i32
      %parallel_loop3A_183 = arith.constant 0 : i32
      %parallel_loop3A_184 = arith.constant 8 : i32
      %parallel_loop3A_185 = arith.constant 1 : i32
      scf.for %parallel_loop3A_208 = %parallel_loop3A_183 to %parallel_loop3A_184 step %parallel_loop3A_185  : i32 {
        %parallel_loop3A_209 = arith.constant 16 : i32
        %parallel_loop3A_210 = arith.muli %parallel_loop3A_208, %parallel_loop3A_209 : i32
        %parallel_loop3A_211 = arith.addi %add3A_182, %parallel_loop3A_210 : i32
        %parallel_loop3A_212 = vector.broadcast %parallel_loop3A_211 : i32 to vector<16xi32>
        %parallel_loop3A_213 = arith.addi %iota3A, %parallel_loop3A_212 : vector<16xi32>
        %parallel_loop3A_214 = arith.constant 16 : i32
        %parallel_loop3A_215 = arith.muli %parallel_loop3A_208, %parallel_loop3A_214 : i32
        %parallel_loop3A_216 = arith.constant 1 : i32
        %parallel_loop3A_217 = arith.index_cast %parallel_loop3A_216 : i32 to index
        %parallel_loop3A_218 = arith.index_cast %parallel_loop3A_215 : i32 to index
        %parallel_loop3A_219 = tpu.vector_load %arg9[%parallel_loop3A_217, %parallel_loop3A_218] {strides = array<i32>} : memref<2x128xi32, #tpu.memory_space<vmem>>, vector<16xi32>,
        tpu.vector_store %arg9[%parallel_loop3A_217, %parallel_loop3A_218], %parallel_loop3A_213 {strides = array<i32>} : memref<2x128xi32, #tpu.memory_space<vmem>>, vector<16xi32>,
      } {sc.loop_unroll_factor = 2 : i64, sc.parallel_access}
      %parallel_loop3A_186 = arith.constant 0 : i32
      %parallel_loop3A_187 = arith.constant 1024 : i32
      %parallel_loop3A_188 = arith.constant 1 : i32
      scf.for %parallel_loop3A_208 = %parallel_loop3A_186 to %parallel_loop3A_187 step %parallel_loop3A_188  : i32 {
        %parallel_loop3A_209 = arith.constant 8 : i32
        %parallel_loop3A_210 = arith.divsi %parallel_loop3A_208, %parallel_loop3A_209 : i32
        %parallel_loop3A_211 = arith.constant 0 : i32
        %parallel_loop3A_212 = arith.cmpi sgt, %parallel_loop3A_208, %parallel_loop3A_211 : i32
        %parallel_loop3A_213 = arith.extui %parallel_loop3A_212 : i1 to i32
        %parallel_loop3A_214 = arith.constant 0 : i32
        %parallel_loop3A_215 = arith.cmpi slt, %parallel_loop3A_208, %parallel_loop3A_214 : i32
        %parallel_loop3A_216 = arith.extui %parallel_loop3A_215 : i1 to i32
        %parallel_loop3A_217 = arith.subi %parallel_loop3A_213, %parallel_loop3A_216 : i32
        %parallel_loop3A_218 = arith.constant 0 : i32
        %parallel_loop3A_219 = arith.cmpi sgt, %parallel_loop3A_209, %parallel_loop3A_218 : i32
        %parallel_loop3A_220 = arith.extui %parallel_loop3A_219 : i1 to i32
        %parallel_loop3A_221 = arith.constant 0 : i32
        %parallel_loop3A_222 = arith.cmpi slt, %parallel_loop3A_209, %parallel_loop3A_221 : i32
        %parallel_loop3A_223 = arith.extui %parallel_loop3A_222 : i1 to i32
        %parallel_loop3A_224 = arith.subi %parallel_loop3A_220, %parallel_loop3A_223 : i32
        %parallel_loop3A_225 = arith.cmpi ne, %parallel_loop3A_217, %parallel_loop3A_224 : i32
        %parallel_loop3A_226 = arith.remsi %parallel_loop3A_208, %parallel_loop3A_209 : i32
        %parallel_loop3A_227 = arith.constant 0 : i32
        %parallel_loop3A_228 = arith.cmpi ne, %parallel_loop3A_226, %parallel_loop3A_227 : i32
        %parallel_loop3A_229 = arith.andi %parallel_loop3A_225, %parallel_loop3A_228 : i1
        %parallel_loop3A_230 = arith.constant 1 : i32
        %parallel_loop3A_231 = arith.subi %parallel_loop3A_210, %parallel_loop3A_230 : i32
        %parallel_loop3A_232 = arith.select %parallel_loop3A_229, %parallel_loop3A_231, %parallel_loop3A_210 : i32
        %parallel_loop3A_233 = arith.constant 8 : i32
        %parallel_loop3A_234 = arith.constant 0 : i32
        %parallel_loop3A_235 = arith.cmpi eq, %parallel_loop3A_233, %parallel_loop3A_234 : i32
        %parallel_loop3A_236 = arith.constant 1 : i32
        %parallel_loop3A_237 = arith.select %parallel_loop3A_235, %parallel_loop3A_236, %parallel_loop3A_233 : i32
        %parallel_loop3A_238 = arith.remsi %parallel_loop3A_208, %parallel_loop3A_237 : i32
        %parallel_loop3A_239 = arith.constant 0 : i32
        %parallel_loop3A_240 = arith.cmpi ne, %parallel_loop3A_238, %parallel_loop3A_239 : i32
        %parallel_loop3A_241 = arith.constant 0 : i32
        %parallel_loop3A_242 = arith.cmpi slt, %parallel_loop3A_238, %parallel_loop3A_241 : i32
        %parallel_loop3A_243 = arith.constant 0 : i32
        %parallel_loop3A_244 = arith.cmpi slt, %parallel_loop3A_237, %parallel_loop3A_243 : i32
        %parallel_loop3A_245 = arith.xori %parallel_loop3A_242, %parallel_loop3A_244 : i1
        %parallel_loop3A_246 = arith.andi %parallel_loop3A_245, %parallel_loop3A_240 : i1
        %parallel_loop3A_247 = arith.addi %parallel_loop3A_238, %parallel_loop3A_237 : i32
        %parallel_loop3A_248 = arith.select %parallel_loop3A_246, %parallel_loop3A_247, %parallel_loop3A_238 : i32
        %parallel_loop3A_249 = arith.constant 16 : i32
        %parallel_loop3A_250 = arith.muli %parallel_loop3A_248, %parallel_loop3A_249 : i32
        %parallel_loop3A_251 = arith.constant 1 : i32
        %parallel_loop3A_252 = arith.index_cast %parallel_loop3A_251 : i32 to index
        %parallel_loop3A_253 = arith.index_cast %parallel_loop3A_232 : i32 to index
        %parallel_loop3A_254 = arith.index_cast %parallel_loop3A_250 : i32 to index
        %parallel_loop3A_255 = tpu.vector_load %arg7[%parallel_loop3A_252, %parallel_loop3A_253, %parallel_loop3A_254] {strides = array<i32>} : memref<2x128x128xi32, #tpu.memory_space<vmem>>, vector<16xi32>,
        %parallel_loop3A_256 = arith.constant 2 : i32
        %parallel_loop3A_257 = vector.broadcast %parallel_loop3A_256 : i32 to vector<16xi32>
        %parallel_loop3A_258 = arith.muli %parallel_loop3A_255, %parallel_loop3A_257 : vector<16xi32>
        %parallel_loop3A_259 = tpu.vector_load_idx %arg6[%parallel_loop3A_258] : memref<128xf32, #tpu.memory_space<vmem>>[vector<16xi32>], vector<16xf32>,
        %parallel_loop3A_260 = arith.constant 1 : i32
        %parallel_loop3A_261 = arith.constant 0 : i32
        %parallel_loop3A_262 = arith.index_cast %parallel_loop3A_260 : i32 to index
        %parallel_loop3A_263 = arith.index_cast %parallel_loop3A_232 : i32 to index
        %parallel_loop3A_264 = arith.index_cast %parallel_loop3A_261 : i32 to index
        %parallel_loop3A_265 = arith.index_cast %parallel_loop3A_250 : i32 to index
        %parallel_loop3A_266 = tpu.vector_load %arg8[%parallel_loop3A_262, %parallel_loop3A_263, %parallel_loop3A_264, %parallel_loop3A_265] {strides = array<i32>} : memref<2x128x2x128xf32, #tpu.memory_space<vmem>>, vector<16xf32>,
        tpu.vector_store %arg8[%parallel_loop3A_262, %parallel_loop3A_263, %parallel_loop3A_264, %parallel_loop3A_265], %parallel_loop3A_259 {strides = array<i32>} : memref<2x128x2x128xf32, #tpu.memory_space<vmem>>, vector<16xf32>,
        %parallel_loop3A_267 = arith.constant 2 : i32
        %parallel_loop3A_268 = vector.broadcast %parallel_loop3A_267 : i32 to vector<16xi32>
        %parallel_loop3A_269 = arith.muli %parallel_loop3A_255, %parallel_loop3A_268 : vector<16xi32>
        %parallel_loop3A_270 = arith.constant 1 : i32
        %parallel_loop3A_271 = vector.broadcast %parallel_loop3A_270 : i32 to vector<16xi32>
        %parallel_loop3A_272 = arith.addi %parallel_loop3A_269, %parallel_loop3A_271 : vector<16xi32>
        %parallel_loop3A_273 = tpu.vector_load_idx %arg6[%parallel_loop3A_272] : memref<128xf32, #tpu.memory_space<vmem>>[vector<16xi32>], vector<16xf32>,
        %parallel_loop3A_274 = arith.constant 1 : i32
        %parallel_loop3A_275 = arith.constant 1 : i32
        %parallel_loop3A_276 = arith.index_cast %parallel_loop3A_274 : i32 to index
        %parallel_loop3A_277 = arith.index_cast %parallel_loop3A_232 : i32 to index
        %parallel_loop3A_278 = arith.index_cast %parallel_loop3A_275 : i32 to index
        %parallel_loop3A_279 = arith.index_cast %parallel_loop3A_250 : i32 to index
        %parallel_loop3A_280 = tpu.vector_load %arg8[%parallel_loop3A_276, %parallel_loop3A_277, %parallel_loop3A_278, %parallel_loop3A_279] {strides = array<i32>} : memref<2x128x2x128xf32, #tpu.memory_space<vmem>>, vector<16xf32>,
        tpu.vector_store %arg8[%parallel_loop3A_276, %parallel_loop3A_277, %parallel_loop3A_278, %parallel_loop3A_279], %parallel_loop3A_273 {strides = array<i32>} : memref<2x128x2x128xf32, #tpu.memory_space<vmem>>, vector<16xf32>,
      } {sc.loop_unroll_factor = 8 : i64, sc.parallel_access}
      %dma_start3A_189 = arith.constant 1 : i32
      %dma_start3A_190 = arith.constant 1 : i32
      %dma_start3A_191 = arith.constant 0 : i32
      %dma_start3A_192 = arith.constant 0 : i32
      %dma_start3A_193 = arith.constant 0 : i32
      %dma_start3A_194 = tpu.memref_slice %arg8[%dma_start3A_190, %dma_start3A_191, %dma_start3A_192, %dma_start3A_193] : memref<2x128x2x128xf32, #tpu.memory_space<vmem>> -> memref<1x128x2x128xf32, #tpu.memory_space<vmem>>
      %dma_start3A_195 = tpu.memref_squeeze %dma_start3A_194 : memref<1x128x2x128xf32, #tpu.memory_space<vmem>> -> memref<128x2x128xf32, #tpu.memory_space<vmem>>
      %dma_start3A_196 = arith.constant 0 : i32
      %dma_start3A_197 = tpu.memref_slice %arg9[%dma_start3A_189, %dma_start3A_196] : memref<2x128xi32, #tpu.memory_space<vmem>> -> memref<1x128xi32, #tpu.memory_space<vmem>>
      %dma_start3A_198 = tpu.memref_squeeze %dma_start3A_197 : memref<1x128xi32, #tpu.memory_space<vmem>> -> memref<128xi32, #tpu.memory_space<vmem>>
      %dma_start3A_199 = arith.constant 0 : i32
      %dma_start3A_200 = arith.constant 0 : i32
      %dma_start3A_201 = arith.constant 0 : i32
      %dma_start3A_202 = tpu.memref_slice %arg2[%dma_start3A_199, %dma_start3A_200, %dma_start3A_201] : memref<65536x2x128xf32, #tpu.memory_space<hbm>> -> memref<65536x2x128xf32, #tpu.memory_space<hbm>>
      tpu.enqueue_indirect_dma source(%dma_start3A_202 : memref<65536x2x128xf32, #tpu.memory_space<hbm>>) target(%dma_start3A_195 : memref<128x2x128xf32, #tpu.memory_space<vmem>>) offsets(%dma_start3A_198 : memref<128xi32, #tpu.memory_space<vmem>>) semaphore(%arg13 : memref<!tpu.dma_semaphore, #tpu.memory_space<semaphore_mem>>) {add = true}
      %ge3A_203 = arith.constant 1 : i32
      %ge3A_204 = arith.cmpi sge, %add3A_151, %ge3A_203 : i32
      %convert_element_type3A_205 = arith.extui %ge3A_204 : i1 to i32
      %cond3A_206 = arith.constant 0 : i32
      %cond3A_207 = arith.cmpi ne, %convert_element_type3A_205, %cond3A_206 : i32
      scf.if %cond3A_207 {
        %sub3A = arith.constant 1 : i32
        %sub3A_208 = arith.subi %add3A_151, %sub3A : i32
        %dma_wait3A_209 = arith.constant 0 : i32
        %dma_wait3A_210 = arith.constant 0 : i32
        %dma_wait3A_211 = arith.constant 0 : i32
        %dma_wait3A_212 = arith.constant 0 : i32
        %dma_wait3A_213 = arith.constant 0 : i32
        %dma_wait3A_214 = tpu.memref_slice %arg8[%dma_wait3A_210, %dma_wait3A_211, %dma_wait3A_212, %dma_wait3A_213] : memref<2x128x2x128xf32, #tpu.memory_space<vmem>> -> memref<1x128x2x128xf32, #tpu.memory_space<vmem>>
        %dma_wait3A_215 = tpu.memref_squeeze %dma_wait3A_214 : memref<1x128x2x128xf32, #tpu.memory_space<vmem>> -> memref<128x2x128xf32, #tpu.memory_space<vmem>>
        %dma_wait3A_216 = arith.constant 0 : i32
        %dma_wait3A_217 = tpu.memref_slice %arg9[%dma_wait3A_209, %dma_wait3A_216] : memref<2x128xi32, #tpu.memory_space<vmem>> -> memref<1x128xi32, #tpu.memory_space<vmem>>
        %dma_wait3A_218 = tpu.memref_squeeze %dma_wait3A_217 : memref<1x128xi32, #tpu.memory_space<vmem>> -> memref<128xi32, #tpu.memory_space<vmem>>
        %dma_wait3A_219 = arith.constant 0 : i32
        %dma_wait3A_220 = arith.constant 0 : i32
        %dma_wait3A_221 = arith.constant 0 : i32
        %dma_wait3A_222 = tpu.memref_slice %arg2[%dma_wait3A_219, %dma_wait3A_220, %dma_wait3A_221] : memref<65536x2x128xf32, #tpu.memory_space<hbm>> -> memref<65536x2x128xf32, #tpu.memory_space<hbm>>
        tpu.wait_indirect_dma semaphore(%arg12 : memref<!tpu.dma_semaphore, #tpu.memory_space<semaphore_mem>>) src(%dma_wait3A_222 : memref<65536x2x128xf32, #tpu.memory_space<hbm>>) dst(%dma_wait3A_215 : memref<128x2x128xf32, #tpu.memory_space<vmem>>)
        %sub3A_223 = arith.constant 1 : i32
        %sub3A_224 = arith.subi %add3A_151, %sub3A_223 : i32
        %mul3A_225 = arith.constant 128 : i32
        %mul3A_226 = arith.muli %sub3A_224, %mul3A_225 : i32
        %add3A_227 = arith.addi %mul3A_2, %mul3A_226 : i32
        %dma_start3A_228 = arith.constant 0 : i32
        %dma_start3A_229 = arith.constant 0 : i32
        %dma_start3A_230 = arith.constant 0 : i32
        %dma_start3A_231 = arith.constant 0 : i32
        %dma_start3A_232 = tpu.memref_slice %arg8[%dma_start3A_228, %dma_start3A_229, %dma_start3A_230, %dma_start3A_231] : memref<2x128x2x128xf32, #tpu.memory_space<vmem>> -> memref<1x128x2x128xf32, #tpu.memory_space<vmem>>
        %dma_start3A_233 = tpu.memref_squeeze %dma_start3A_232 : memref<1x128x2x128xf32, #tpu.memory_space<vmem>> -> memref<128x2x128xf32, #tpu.memory_space<vmem>>
        %dma_start3A_234 = arith.constant 0 : i32
        %dma_start3A_235 = arith.constant 0 : i32
        %dma_start3A_236 = tpu.memref_slice %arg5[%add3A_227, %dma_start3A_234, %dma_start3A_235] : memref<65536x2x128xf32, #tpu.memory_space<hbm>> -> memref<128x2x128xf32, #tpu.memory_space<hbm>>
        %dma_start3A_237 = arith.constant 0 : i32
        %dma_start3A_238 = arith.constant 0 : i32
        %dma_start3A_239 = tpu.memref_slice %arg5[%add3A_227, %dma_start3A_237, %dma_start3A_238] : memref<65536x2x128xf32, #tpu.memory_space<hbm>> -> memref<128x2x128xf32, #tpu.memory_space<hbm>>
        %dma_start3A_240 = arith.constant 0 : i32
        %dma_start3A_241 = arith.constant 0 : i32
        %dma_start3A_242 = arith.constant 0 : i32
        %dma_start3A_243 = tpu.memref_slice %arg8[%dma_start3A_228, %dma_start3A_240, %dma_start3A_241, %dma_start3A_242] : memref<2x128x2x128xf32, #tpu.memory_space<vmem>> -> memref<1x128x2x128xf32, #tpu.memory_space<vmem>>
        %dma_start3A_244 = tpu.memref_squeeze %dma_start3A_243 : memref<1x128x2x128xf32, #tpu.memory_space<vmem>> -> memref<128x2x128xf32, #tpu.memory_space<vmem>>
        tpu.enqueue_dma source(%dma_start3A_244 : memref<128x2x128xf32, #tpu.memory_space<vmem>>) target(%dma_start3A_239 : memref<128x2x128xf32, #tpu.memory_space<hbm>>) target_semaphore(%arg14 : memref<!tpu.dma_semaphore, #tpu.memory_space<semaphore_mem>>)
      } else {
      }
    }
    %scan3A_21 = arith.constant 8 : i32
    %dma_wait3A = arith.constant 1 : i32
    %dma_wait3A_22 = arith.constant 1 : i32
    %dma_wait3A_23 = arith.constant 0 : i32
    %dma_wait3A_24 = arith.constant 0 : i32
    %dma_wait3A_25 = arith.constant 0 : i32
    %dma_wait3A_26 = tpu.memref_slice %arg8[%dma_wait3A_22, %dma_wait3A_23, %dma_wait3A_24, %dma_wait3A_25] : memref<2x128x2x128xf32, #tpu.memory_space<vmem>> -> memref<1x128x2x128xf32, #tpu.memory_space<vmem>>
    %dma_wait3A_27 = tpu.memref_squeeze %dma_wait3A_26 : memref<1x128x2x128xf32, #tpu.memory_space<vmem>> -> memref<128x2x128xf32, #tpu.memory_space<vmem>>
    %dma_wait3A_28 = arith.constant 0 : i32
    %dma_wait3A_29 = tpu.memref_slice %arg9[%dma_wait3A, %dma_wait3A_28] : memref<2x128xi32, #tpu.memory_space<vmem>> -> memref<1x128xi32, #tpu.memory_space<vmem>>
    %dma_wait3A_30 = tpu.memref_squeeze %dma_wait3A_29 : memref<1x128xi32, #tpu.memory_space<vmem>> -> memref<128xi32, #tpu.memory_space<vmem>>
    %dma_wait3A_31 = arith.constant 0 : i32
    %dma_wait3A_32 = arith.constant 0 : i32
    %dma_wait3A_33 = arith.constant 0 : i32
    %dma_wait3A_34 = tpu.memref_slice %arg2[%dma_wait3A_31, %dma_wait3A_32, %dma_wait3A_33] : memref<65536x2x128xf32, #tpu.memory_space<hbm>> -> memref<65536x2x128xf32, #tpu.memory_space<hbm>>
    tpu.wait_indirect_dma semaphore(%arg13 : memref<!tpu.dma_semaphore, #tpu.memory_space<semaphore_mem>>) src(%dma_wait3A_34 : memref<65536x2x128xf32, #tpu.memory_space<hbm>>) dst(%dma_wait3A_27 : memref<128x2x128xf32, #tpu.memory_space<vmem>>)
    %add3A_35 = arith.constant 1920 : i32
    %add3A_36 = arith.addi %mul3A_2, %add3A_35 : i32
    %dma_start3A_37 = arith.constant 1 : i32
    %dma_start3A_38 = arith.constant 0 : i32
    %dma_start3A_39 = arith.constant 0 : i32
    %dma_start3A_40 = arith.constant 0 : i32
    %dma_start3A_41 = tpu.memref_slice %arg8[%dma_start3A_37, %dma_start3A_38, %dma_start3A_39, %dma_start3A_40] : memref<2x128x2x128xf32, #tpu.memory_space<vmem>> -> memref<1x128x2x128xf32, #tpu.memory_space<vmem>>
    %dma_start3A_42 = tpu.memref_squeeze %dma_start3A_41 : memref<1x128x2x128xf32, #tpu.memory_space<vmem>> -> memref<128x2x128xf32, #tpu.memory_space<vmem>>
    %dma_start3A_43 = arith.constant 0 : i32
    %dma_start3A_44 = arith.constant 0 : i32
    %dma_start3A_45 = tpu.memref_slice %arg5[%add3A_36, %dma_start3A_43, %dma_start3A_44] : memref<65536x2x128xf32, #tpu.memory_space<hbm>> -> memref<128x2x128xf32, #tpu.memory_space<hbm>>
    %dma_start3A_46 = arith.constant 0 : i32
    %dma_start3A_47 = arith.constant 0 : i32
    %dma_start3A_48 = tpu.memref_slice %arg5[%add3A_36, %dma_start3A_46, %dma_start3A_47] : memref<65536x2x128xf32, #tpu.memory_space<hbm>> -> memref<128x2x128xf32, #tpu.memory_space<hbm>>
    %dma_start3A_49 = arith.constant 0 : i32
    %dma_start3A_50 = arith.constant 0 : i32
    %dma_start3A_51 = arith.constant 0 : i32
    %dma_start3A_52 = tpu.memref_slice %arg8[%dma_start3A_37, %dma_start3A_49, %dma_start3A_50, %dma_start3A_51] : memref<2x128x2x128xf32, #tpu.memory_space<vmem>> -> memref<1x128x2x128xf32, #tpu.memory_space<vmem>>
    %dma_start3A_53 = tpu.memref_squeeze %dma_start3A_52 : memref<1x128x2x128xf32, #tpu.memory_space<vmem>> -> memref<128x2x128xf32, #tpu.memory_space<vmem>>
    tpu.enqueue_dma source(%dma_start3A_53 : memref<128x2x128xf32, #tpu.memory_space<vmem>>) target(%dma_start3A_48 : memref<128x2x128xf32, #tpu.memory_space<hbm>>) target_semaphore(%arg15 : memref<!tpu.dma_semaphore, #tpu.memory_space<semaphore_mem>>)
    %add3A_54 = arith.constant 1792 : i32
    %add3A_55 = arith.addi %mul3A_2, %add3A_54 : i32
    %dma_wait3A_56 = arith.constant 0 : i32
    %dma_wait3A_57 = arith.constant 0 : i32
    %dma_wait3A_58 = arith.constant 0 : i32
    %dma_wait3A_59 = arith.constant 0 : i32
    %dma_wait3A_60 = tpu.memref_slice %arg8[%dma_wait3A_56, %dma_wait3A_57, %dma_wait3A_58, %dma_wait3A_59] : memref<2x128x2x128xf32, #tpu.memory_space<vmem>> -> memref<1x128x2x128xf32, #tpu.memory_space<vmem>>
    %dma_wait3A_61 = tpu.memref_squeeze %dma_wait3A_60 : memref<1x128x2x128xf32, #tpu.memory_space<vmem>> -> memref<128x2x128xf32, #tpu.memory_space<vmem>>
    %dma_wait3A_62 = arith.constant 0 : i32
    %dma_wait3A_63 = arith.constant 0 : i32
    %dma_wait3A_64 = tpu.memref_slice %arg5[%add3A_55, %dma_wait3A_62, %dma_wait3A_63] : memref<65536x2x128xf32, #tpu.memory_space<hbm>> -> memref<128x2x128xf32, #tpu.memory_space<hbm>>
    %dma_wait3A_65 = arith.constant 0 : i32
    %dma_wait3A_66 = arith.constant 0 : i32
    %dma_wait3A_67 = tpu.memref_slice %arg5[%add3A_55, %dma_wait3A_65, %dma_wait3A_66] : memref<65536x2x128xf32, #tpu.memory_space<hbm>> -> memref<128x2x128xf32, #tpu.memory_space<hbm>>
    %dma_wait3A_68 = arith.constant 0 : i32
    %dma_wait3A_69 = arith.constant 0 : i32
    %dma_wait3A_70 = arith.constant 0 : i32
    %dma_wait3A_71 = tpu.memref_slice %arg8[%dma_wait3A_56, %dma_wait3A_68, %dma_wait3A_69, %dma_wait3A_70] : memref<2x128x2x128xf32, #tpu.memory_space<vmem>> -> memref<1x128x2x128xf32, #tpu.memory_space<vmem>>
    %dma_wait3A_72 = tpu.memref_squeeze %dma_wait3A_71 : memref<1x128x2x128xf32, #tpu.memory_space<vmem>> -> memref<128x2x128xf32, #tpu.memory_space<vmem>>
    tpu.wait_dma2 semaphore(%arg14 : memref<!tpu.dma_semaphore, #tpu.memory_space<semaphore_mem>>) src(%dma_wait3A_72 : memref<128x2x128xf32, #tpu.memory_space<vmem>>) dst(%dma_wait3A_67 : memref<128x2x128xf32, #tpu.memory_space<hbm>>)
    %add3A_73 = arith.constant 1920 : i32
    %add3A_74 = arith.addi %mul3A_2, %add3A_73 : i32
    %dma_wait3A_75 = arith.constant 1 : i32
    %dma_wait3A_76 = arith.constant 0 : i32
    %dma_wait3A_77 = arith.constant 0 : i32
    %dma_wait3A_78 = arith.constant 0 : i32
    %dma_wait3A_79 = tpu.memref_slice %arg8[%dma_wait3A_75, %dma_wait3A_76, %dma_wait3A_77, %dma_wait3A_78] : memref<2x128x2x128xf32, #tpu.memory_space<vmem>> -> memref<1x128x2x128xf32, #tpu.memory_space<vmem>>
    %dma_wait3A_80 = tpu.memref_squeeze %dma_wait3A_79 : memref<1x128x2x128xf32, #tpu.memory_space<vmem>> -> memref<128x2x128xf32, #tpu.memory_space<vmem>>
    %dma_wait3A_81 = arith.constant 0 : i32
    %dma_wait3A_82 = arith.constant 0 : i32
    %dma_wait3A_83 = tpu.memref_slice %arg5[%add3A_74, %dma_wait3A_81, %dma_wait3A_82] : memref<65536x2x128xf32, #tpu.memory_space<hbm>> -> memref<128x2x128xf32, #tpu.memory_space<hbm>>
    %dma_wait3A_84 = arith.constant 0 : i32
    %dma_wait3A_85 = arith.constant 0 : i32
    %dma_wait3A_86 = tpu.memref_slice %arg5[%add3A_74, %dma_wait3A_84, %dma_wait3A_85] : memref<65536x2x128xf32, #tpu.memory_space<hbm>> -> memref<128x2x128xf32, #tpu.memory_space<hbm>>
    %dma_wait3A_87 = arith.constant 0 : i32
    %dma_wait3A_88 = arith.constant 0 : i32
    %dma_wait3A_89 = arith.constant 0 : i32
    %dma_wait3A_90 = tpu.memref_slice %arg8[%dma_wait3A_75, %dma_wait3A_87, %dma_wait3A_88, %dma_wait3A_89] : memref<2x128x2x128xf32, #tpu.memory_space<vmem>> -> memref<1x128x2x128xf32, #tpu.memory_space<vmem>>
    %dma_wait3A_91 = tpu.memref_squeeze %dma_wait3A_90 : memref<1x128x2x128xf32, #tpu.memory_space<vmem>> -> memref<128x2x128xf32, #tpu.memory_space<vmem>>
    tpu.wait_dma2 semaphore(%arg15 : memref<!tpu.dma_semaphore, #tpu.memory_space<semaphore_mem>>) src(%dma_wait3A_91 : memref<128x2x128xf32, #tpu.memory_space<vmem>>) dst(%dma_wait3A_86 : memref<128x2x128xf32, #tpu.memory_space<hbm>>)
    return
  }
}

</mosaic_0001>

<sc_bundles>
// kernel: kernel.3.cloned.1.call-start
scs
__scs_entry_jumppad:
0x0: {  	(pc) =	sbr.rel $0x88, $3  }
0x1: {  	(tag) =	ssettag $0x0;
	lr =	simm.s32 $0x1  }
0x2: {  	[smem:$0x3F9E] =	sst lr;
	_ =	strace $0xD0000000  }
0x3: {  	_ = 	snop  }
0x4: {  	_ = 	snop  }
0x5: {  	_ = 	snop  }
0x6: {  	_ = 	snop  }
0x7: {  	_ = 	snop  }
__scs_overlays_trampoline_lowered:
0x8: {  	[smem:$0x3FAD] =	sst s0  }
0x9: {  	[smem:$0x3FAE] =	sst s1  }
0xa: {  	[smem:$0x3FAF] =	sst s2  }
0xb: {  	[smem:$0x3FB0] =	sst s3  }
0xc: {  	[smem:$0x3FB1] =	sst s4  }
0xd: {  	[smem:$0x3FB2] =	sst s5  }
0xe: {  	[smem:$0x3FB3] =	sst s6  }
0xf: {  	[smem:$0x3FB4] =	sst s7  }
0x10: {  	[smem:$0x3FB5] =	sst s8  }
0x11: {  	[smem:$0x3FB6] =	sst s9;
	s0 =	simm.s32 @!p0 $0x0  }
0x12: {  	s1 =	sld [smem:$0x3F9C];
	s0 =	simm.s32 @p0 $0x1  }
0x13: {  	[smem:$0x3FB7] =	sst s0;
	s0 =	simm.s32 @!p1 $0x0  }
0x14: {  	s2 =	sld [smem:$0x3F9B];
	s0 =	simm.s32 @p1 $0x1  }
0x15: {  	[smem:$0x3FB8] =	sst s0;
	s0 =	simm.s32 @!p2 $0x0  }
0x16: {  	s3 =	sld [smem:$0x3FDB];
	s0 =	simm.s32 @p2 $0x1  }
0x17: {  	s4 =	simm.s32 $0x1BF5;
	[smem:$0x3FBA] =	sst s0  }
0x18: {  	s0 =	sld [smem:$0x3F9D];
	_ =	swait.ge [sflag:s4], $0x0  }
0x19: {  	s7 =	sld [smem:$0x3F9E]  }
0x1a: {  	s8 =	sadd.s32 $0xFFFFE003, lr  }
0x1b: {  	s9 =	sadd.s32 $0xFFFFFEF7, lr;
	s5 =	simm.s32 $0xFFFFFFFF;
	p2 =	slt.u32 s8, $0xFFFFF086  }
0x1c: {  	p1 =	slt.u32 s9, $0xF7A;
	s5 =	simm.s32 @!p2 $0x0  }
0x1d: {  	s5 =	simm.s32 @p1 $0x1;
	p0 =	seq.s32 s7, s2  }
0x1e: {  	s7 =	smul.u32 @!p0 $0xF7A, s2;
	p2 =	seq.s32 @!p0 s5, $0x0  }
0x1f: {  	s9 =	smul.u32 $0xF7A, s1;
	s8 =	simm.s32 @!p0 $0x1BF5;
	p2 =	por !p2, p0  }
0x20: {  	[sflag:s8] =	ssyncset.s32 @!p0 $0xFFFFF086;
	s6 =	sadd.s32 @!p0 s3, s7;
	s7 =	simm.s32 @!p0 $0x108  }
0x21: {  	s3 =	sadd.s32 s3, s9;
	s6 =	sadd.s32 @!p0 $0x88, s6;
	s7 =	simm.s32 @p2 $0x1082  }
0x22: {  	[simem:s7], [sflag:s8] =	dma.local @!p0 [hbm:s6], $0xF7A  }
0x23: {  	s9 =	sor.u32 $0xD0000000, s2;
	s6 =	simm.s32 $0x108;
	_ =	swait.ge @!p0 [sflag:s8], $0x0  }
0x24: {  	s3 =	sadd.s32 $0x88, s3;
	s6 =	simm.s32 @!p1 $0x1082;
	[sflag:s4] =	ssyncset.s32 $0xFFFFF086  }
0x25: {  	[simem:s6], [sflag:s4] =	dma.local [hbm:s3], $0xF7A  }
0x26: {  	[smem:$0x3F9E] =	sst s1;
	(tag) =	ssettag s2;
	_ =	strace s9  }
0x27: {  	s1 =	sld [smem:$0x3FAE]  }
0x28: {  	s2 =	sld [smem:$0x3FAF]  }
0x29: {  	s4 =	sld [smem:$0x3FB1]  }
0x2a: {  	p0 =	seq.s32 s5, $0x0;
	s5 =	sld [smem:$0x3FB2]  }
0x2b: {  	s6 =	sld [smem:$0x3FB3]  }
0x2c: {  	s7 =	sld [smem:$0x3FB4]  }
0x2d: {  	s3 =	simm.s32 $0x108;
	s8 =	sld [smem:$0x3FB5]  }
0x2e: {  	s3 =	simm.s32 @!p0 $0x1082;
	s9 =	sld [smem:$0x3FB6]  }
0x2f: {  	lr =	sadd.s32 s0, s3;
	s0 =	sld [smem:$0x3FAD]  }
0x30: {  	s3 =	sld [smem:$0x3FB0]  }
0x31: {  	[smem:$0x3FB9] =	sst s10  }
0x32: {  	s10 =	sld [smem:$0x3FB7];
	_ =	sdelay $0x3  }
0x33: {  	p0 =	seq.s32 s10, $0x1;
	s10 =	sld [smem:$0x3FB9];
	_ =	sdelay $0x3  }
0x34: {  	[smem:$0x3FB9] =	sst s10  }
0x35: {  	s10 =	sld [smem:$0x3FB8];
	_ =	sdelay $0x3  }
0x36: {  	p1 =	seq.s32 s10, $0x1;
	s10 =	sld [smem:$0x3FB9];
	_ =	sdelay $0x3  }
0x37: {  	[smem:$0x3FB9] =	sst s10  }
0x38: {  	s10 =	sld [smem:$0x3FBA]  }
0x39: {  	_ = 	snop;
	(pc) =	sbr.ind lr, $3  }
0x3a: {  	_ = 	snop  }
0x3b: {  	_ = 	snop  }
0x3c: {  	p2 =	seq.s32 s10, $0x1;
	s10 =	sld [smem:$0x3FB9]  }
0x3d: {  	_ =	shalt  }
0x3e: {  	_ =	shalt  }
0x3f: {  	_ =	shalt  }
0x40: {  	_ =	shalt  }
0x41: {  	_ =	shalt  }
0x42: {  	_ =	shalt  }
0x43: {  	_ =	shalt  }
0x44: {  	_ =	shalt  }
0x45: {  	_ =	shalt  }
0x46: {  	_ =	shalt  }
0x47: {  	_ =	shalt  }
0x48: {  	_ =	shalt  }
0x49: {  	_ =	shalt  }
0x4a: {  	_ =	shalt  }
0x4b: {  	_ =	shalt  }
0x4c: {  	_ =	shalt  }
0x4d: {  	_ =	shalt  }
0x4e: {  	_ =	shalt  }
0x4f: {  	_ =	shalt  }
0x50: {  	_ =	shalt  }
0x51: {  	_ =	shalt  }
0x52: {  	_ =	shalt  }
0x53: {  	_ =	shalt  }
0x54: {  	_ =	shalt  }
0x55: {  	_ =	shalt  }
0x56: {  	_ =	shalt  }
0x57: {  	_ =	shalt  }
0x58: {  	_ =	shalt  }
0x59: {  	_ =	shalt  }
0x5a: {  	_ =	shalt  }
0x5b: {  	_ =	shalt  }
0x5c: {  	_ =	shalt  }
0x5d: {  	_ =	shalt  }
0x5e: {  	_ =	shalt  }
0x5f: {  	_ =	shalt  }
0x60: {  	_ =	shalt  }
0x61: {  	_ =	shalt  }
0x62: {  	_ =	shalt  }
0x63: {  	_ =	shalt  }
0x64: {  	_ =	shalt  }
0x65: {  	_ =	shalt  }
0x66: {  	_ =	shalt  }
0x67: {  	_ =	shalt  }
0x68: {  	_ =	shalt  }
0x69: {  	_ =	shalt  }
0x6a: {  	_ =	shalt  }
0x6b: {  	_ =	shalt  }
0x6c: {  	_ =	shalt  }
0x6d: {  	_ =	shalt  }
0x6e: {  	_ =	shalt  }
0x6f: {  	_ =	shalt  }
0x70: {  	_ =	shalt  }
0x71: {  	_ =	shalt  }
0x72: {  	_ =	shalt  }
0x73: {  	_ =	shalt  }
0x74: {  	_ =	shalt  }
0x75: {  	_ =	shalt  }
0x76: {  	_ =	shalt  }
0x77: {  	_ =	shalt  }
0x78: {  	_ =	shalt  }
0x79: {  	_ =	shalt  }
0x7a: {  	_ =	shalt  }
0x7b: {  	_ =	shalt  }
0x7c: {  	_ =	shalt  }
0x7d: {  	_ =	shalt  }
0x7e: {  	_ =	shalt  }
0x7f: {  	_ =	shalt  }
0x80: {  	_ =	shalt  }
0x81: {  	_ =	shalt  }
0x82: {  	_ =	shalt  }
0x83: {  	_ =	shalt  }
0x84: {  	_ =	shalt  }
0x85: {  	_ =	shalt  }
0x86: {  	_ =	shalt  }
0x87: {  	_ =	shalt  }
.Lfunc_end0:
.L_simem_size_0:
called_computation_lowered:
.L_overlay_start_0:
0x88: {  	s2 =	sld [smem:$0x3FD9]  }
0x89: {  	s3 =	sld [smem:$0x3FFE];
	_ =	sdelay $0x1  }
0x8a: {  	s1 =	srdreg.scid  }
0x8b: {  	s0 =	sand.u32 $0x1, s1  }
0x8c: {  	s18 =	sshll.u32 s0, $0xA;
	s2 =	sadd.s32 s3, s2  }
0x8d: {  	s2 =	sadd.s32 s2, s18  }
0x8e: {  	[smem:$0x3FC5] =	sst s2  }
0x8f: {  	_ = 	snop  }
0x90: {  	s2 =	sld [smem:$0x3FC9]  }
0x91: {  	s19 =	sld [smem:$0x3FC8]  }
0x92: {  	s4 =	sld [smem:$0x3FC7]  }
0x93: {  	s5 =	sld [smem:$0x3FD0];
	(tm) =	ssettm $0x1  }
0x94: {  	s6 =	sld [smem:$0x3FFB];
	_ =	sdelay $0x3  }
0x95: {  	_ =	strace s6  }
0x96: {  	s6 =	sld [smem:$0x3FFC];
	_ =	sdelay $0x3  }
0x97: {  	_ =	strace s6  }
0x98: {  	s6 =	sld [smem:$0x3FFD];
	_ =	sdelay $0x3  }
0x99: {  	_ =	strace s6  }
0x9a: {  	_ =	strace $0x8FFFFFFF  }
0x9b: {  	s20 =	sld [smem:$0x3FDB];
	_ =	sdelay $0x1  }
0x9c: {  	s7 =	simm.s32 $_scs_section_size  }
0x9d: {  	s8 =	simm.s32 $_size__tile_overlayer_lowered;
	s9 =	simm.s32 $_tile_overlayer_lowered  }
0x9e: {  	s23 =	simm.s32 $0x1BFF;
	s22 =	sshll.u32 s9, $0x1;
	s6 =	sadd.s32 s7, s20  }
0x9f: {  	s10 =	simm.s32 $0x0;
	s21 =	sshll.u32 s8, $0x1;
	s8 =	sadd.s32 s22, s6  }
0xa0: {  	[timem:s10], [sflag:s23] =	dma.local [hbm:s8], s21  }
0xa1: {  	_ =	swait.ge [sflag:s23], s21  }
0xa2: {  	s7 =	ssub.s32 $0x0, s21;
	[sflag:s23] =	ssyncset.done $0x0  }
0xa3: {  	[sflag:s23] =	ssyncadd.s32 s7;
	_ =	sdelay $0x1  }
0xa4: {  	s24 =	simm.s32 $0x1B8B  }
0xa5: {  	_ =	swait.ge [sflag:s24], $0x1  }
0xa6: {  	[sflag:s24] =	ssyncset.done $0x0  }
0xa7: {  	s25 =	simm.s32 $0x1B8E;
	[sflag:s24] =	ssyncadd.s32 $0xFFFFFFFF  }
0xa8: {  	s26 =	simm.s32 $execute0_lowered;
	[smem:$0x3FD2] =	sst s25  }
0xa9: {  	s7 =	sshll.u32 s26, $0x1;
	_ =	strace $0x80000046;
	[dreg:$0x1] =	wrdreg $0xFFFFFFFF  }
0xaa: {  	s28 =	simm.s32 $_size_execute0_lowered;
	s6 =	sadd.s32 s6, s7;
	[dreg:$0x0] =	wrdreg $0x0  }
0xab: {  	s7 =	sshll.u32 s28, $0x1;
	[dreg:$0x2] =	wrdreg s6  }
0xac: {  	[dreg:$0x3] =	wrdreg s7  }
0xad: {  	[dreg:$0x4] =	wrdreg $0xC0  }
0xae: {  	_ =	task [dreg:s10], $0x5FFFF  }
0xaf: {  	[dreg:$0x1] =	wrdreg $0xFFFFFFFF  }
0xb0: {  	[dreg:$0x0] =	wrdreg $0x60  }
0xb1: {  	[dreg:$0x2] =	wrdreg s2  }
0xb2: {  	[dreg:$0x3] =	wrdreg s19  }
0xb3: {  	[dreg:$0x4] =	wrdreg s4  }
0xb4: {  	[dreg:$0x5] =	wrdreg s5  }
0xb5: {  	[dreg:$0x6] =	wrdreg $0x9  }
0xb6: {  	_ =	task.clear_ibuf [dreg:s10], $0x7FFFF;
	_ =	strace $0x90000046  }
0xb7: {  	s29 =	simm.s32 $0x9;
	_ =	strace $0x80000048  }
0xb8: {  	_ =	swait.ge [sflag:s29], $0x1  }
0xb9: {  	[sflag:s29] =	ssyncadd.s32 $0xFFFFFFFF  }
0xba: {  	_ =	strace $0x90000048  }
0xbb: {  	_ =	sfence  }
0xbc: {  	s30 =	sld [smem:$0x0];
	_ =	sdelay $0x2  }
0xbd: {  	s31 =	sshll.u32 s1, $0xD;
	s1 =	sshrl.u32 s1, $0x2  }
0xbe: {  	s3 =	sand.u32 $0x4000, s31;
	s1 =	sadd.s32 s1, s30  }
0xbf: {  	s0 =	sor.u32 s3, s0;
	s1 =	sshll.u32 s1, $0x11  }
0xc0: {  	s0 =	sor.u32 s1, s0  }
0xc1: {  	s0 =	sadd.s32 $0x8F2B, s0  }
0xc2: {  	[sflag:s0] =	ssyncadd.remote.s32 $0x1  }
0xc3: {  	_ =	sfence.sel $0xFFFF  }
0xc4: {  	[dreg:$0x0] =	wrdreg $0xFFFFFFFF;
	(pc) =	sbr.abs _section_cstart, $3  }
0xc5: {  	[dreg:$0x1] =	wrdreg $0xFFFFFFFF  }
0xc6: {  	_ =	task.clear_ibuf [dreg:s10], $0x2FFFF;
	_ =	strace $0x9FFFFFFF  }
0xc7: {  	(tm) =	ssettm $0x7FFFFFFF  }
tec
execute0_lowered:
.L_overlay_start_1:
0x0: {  	(tag) =	ssettag $0x1  }
0x1: {  	s1 =	rddreg [dreg:$0x0]  }
0x2: {  	s0 =	rddreg [dreg:$0x1]  }
0x3: {  	s4 =	rddreg [dreg:$0x3];
	s2 =	srdreg.scid  }
0x4: {  	s3 =	stileid.u32;
	s5 =	simm.s32 $0x0;
	s15 =	simm.s32 $0x80  }
0x5: {  	s16 =	simm.s32 $0x4080;
	s17 =	simm.s32 $0x1;
	s18 =	simm.s32 $0x18080  }
0x6: {  	s19 =	simm.s32 $0x8080;
	s20 =	simm.s32 $0x2;
	s21 =	simm.s32 $0x18100  }
0x7: {  	s22 =	simm.s32 $0x10080;
	s23 =	simm.s32 $0x3;
	s2 =	sand.u32 $0x1, s2  }
0x8: {  	s28 =	simm.s32 $0x0;
	s3 =	sshll.u32 s3, $0xC;
	s6 =	sshll.u32 s2, $0xB  }
0x9: {  	[smem:$0x7FF] =	sst s5;
	s2 =	ssub.s32 $0x2, s2;
	s6 =	sor.u32 s6, s3  }
0xa: {  	_ =	strace $0x80000047;
	s25 =	sshrl.u32 s2, $0x1;
	s7 =	sshll.u32 s6, $0x4  }
0xb: {  	s2 =	ssub.s32 s2, s25;
	s26 =	sshll.u32 s6, $0x5;
	s30 =	sor.u32 $0x10, s6  }
0xc: {  	s31 =	sor.u32 $0x90, s6;
	s7 =	sadd.s32 s0, s7;
	[dreg:$0x7] =	wrdreg s30  }
0xd: {  	s0 =	sadd.s32 s26, s4;
	s29 =	smax.u32 s2, $0x1;
	[dreg:$0x8] =	wrdreg s31  }
0xe: {  	s8 =	sadd.s32 $0xFFFF80, s6;
	s0 =	sadd.s32 $0xF000, s0;
	[dreg:$0x6] =	wrdreg s29  }
0xf: {  	v0 =	vlaneseq.u32;
	s26 =	simm.s32 $0x6;
	s9 =	sadd.s32 $0x1000, s7;
	[dreg:$0x5] =	wrdreg s0  }
.LBB2_1:
0x10: {  	s0 =	rddreg [dreg:$0x2];
	s30 =	simm.s32 $0x7  }
0x11: {  	[tilespmem:s5], [sflag:$0x7] =	stream.linear.gather [hbm4b:s0+s5], $0x80, $0x38;
	[tilespmem:$0x18180] =	vst v63  }
0x12: {  	_ =	swait.ge [sflag:s30], $0x80  }
0x13: {  	[sflag:s30] =	ssyncset.done $0x0;
	s29 =	rddreg [dreg:$0x8]  }
0x14: {  	s31 =	simm.s32 $0x0;
	s14 =	rddreg [dreg:$0x7];
	[sflag:s30] =	ssyncadd.s32 $0xFFFFFF80  }
0x15: {  	[tilespmem:s15], [sflag:$0x1] =	stream.linear.gather [hbm4b:s7+s5], $0x4000, $0x38;
	[tilespmem:$0x18180] =	vst v63  }
.LBB2_2:
0x16: {  	s2 =	sshll.u32 s31, $0xC  }
0x17: {  	s0 =	sadd.s32 s2, s7  }
0x18: {  	s0 =	sadd.s32 $0x800, s0  }
0x19: {  	[tilespmem:s16], [sflag:$0x2] =	stream.linear.gather [hbm4b:s0+s5], $0x4000, $0x38;
	[tilespmem:$0x18180] =	vst v63  }
0x1a: {  	p0 =	seq.s32 s31, $0x0;
	_ =	swait.ge [sflag:s17], $0x4000  }
0x1b: {  	s3 =	sshll.u32 s31, $0x8;
	s12 =	simm.s32 $0x18090;
	[sflag:s17] =	ssyncset.done $0x0  }
0x1c: {  	s13 =	simm.s32 $0x0;
	s10 =	simm.s32 @!p0 $0x5;
	[sflag:s17] =	ssyncadd.s32 $0xFFFFC000  }
0x1d: {  	s25 =	sadd.s32 $0xFFFFFFF0, s14;
	s11 =	simm.s32 $0xC0;
	_ =	swait.ge @!p0 [sflag:s10], $0x8000  }
0x1e: {  	s30 =	smov.u32 s14;
	s24 =	simm.s32 $0x18090;
	[sflag:s10] =	ssyncset.done @!p0 $0x0  }
0x1f: {  	v1 =	vor.u32 s14, v0;
	v2 =	vor.u32 s25, v0;
	s0 =	sor.u32 s6, s3;
	[sflag:s10] =	ssyncadd.s32 @!p0 $0xFFFF8000;
	s10 =	simm.s32 $0x8100  }
.LBB2_3:
0x20: {  	s13 =	sadd.s32 $0x2, s13  }
0x21: {  	[tilespmem:s12+$0xFFFFFFF0] =	vst v2;
	s30 =	sadd.s32 $0x20, s30;
	s24 =	sadd.s32 $0x20, s24;
	p1 =	slt.u32 s13, $0x6  }
.Ltmp0:
0x22: {  	[tilespmem:s12+$0x0] =	vst v1;
	s12 =	smov.u32 s24;
	(pc) =	sbr.rel @p1 .LBB2_3-.Ltmp0, $3  }
0x23: {  	_ =	sdelay $0x1  }
0x24: {  	s25 =	sadd.s32 $0xFFFFFFF0, s30  }
0x25: {  	v1 =	vor.u32 s30, v0;
	v2 =	vor.u32 s25, v0  }
0x26: {  	[tilespmem:s12+$0xFFFFFFF0] =	vst v2  }
0x27: {  	[tilespmem:s12+$0x0] =	vst v1  }
0x28: {  	v1 =	vld [tilespmem:s11+$0x30]  }
0x29: {  	v2 =	vld [tilespmem:s11+$0xFFFFFFD0]  }
0x2a: {  	v3 =	vld [tilespmem:s11+$0xFFFFFFE0]  }
0x2b: {  	v4 =	vld [tilespmem:s11+$0xFFFFFFF0]  }
0x2c: {  	v5 =	vld [tilespmem:s11+$0x0]  }
0x2d: {  	v6 =	vld [tilespmem:s11+$0x10];
	v1 =	vshll.u32 v1, $0x1  }
0x2e: {  	v7 =	vld [tilespmem:s11+$0x20];
	v2 =	vshll.u32 v2, $0x1  }
0x2f: {  	v8 =	vld [tilespmem:s11+$0xFFFFFFC0];
	v3 =	vshll.u32 v3, $0x1  }
0x30: {  	v4 =	vshll.u32 v4, $0x1  }
0x31: {  	v5 =	vshll.u32 v5, $0x1  }
0x32: {  	v6 =	vshll.u32 v6, $0x1;
	v9 =	vld.idx.msk [tilespmem:v1+s5+$0x0], $0xffff  }
0x33: {  	v11 =	vshll.u32 v7, $0x1;
	v10 =	vld.idx.msk [tilespmem:v2+s5+$0x0], $0xffff  }
0x34: {  	v8 =	vshll.u32 v8, $0x1;
	v7 =	vld.idx.msk [tilespmem:v3+s5+$0x0], $0xffff  }
0x35: {  	v1 =	vor.u32 $0x1, v1;
	v12 =	vld.idx.msk [tilespmem:v4+s5+$0x0], $0xffff  }
0x36: {  	v2 =	vor.u32 $0x1, v2;
	v13 =	vld.idx.msk [tilespmem:v5+s5+$0x0], $0xffff  }
0x37: {  	v14 =	vor.u32 $0x1, v3;
	v15 =	vld.idx.msk [tilespmem:v6+s5+$0x0], $0xffff  }
0x38: {  	v16 =	vor.u32 $0x1, v4;
	v17 =	vld.idx.msk [tilespmem:v11+s5+$0x0], $0xffff;
	[tilespmem:s10+$0xFFFFFFF0] =	vst v9  }
0x39: {  	v18 =	vor.u32 $0x1, v6;
	v3 =	vld.idx.msk [tilespmem:v8+s5+$0x0], $0xffff;
	[tilespmem:s10+$0xFFFFFF90] =	vst v10  }
0x3a: {  	v9 =	vor.u32 $0x1, v5;
	[tilespmem:s10+$0xFFFFFFA0] =	vst v7;
	v10 =	vld.idx.msk [tilespmem:v1+s5+$0x0], $0xffff  }
0x3b: {  	[tilespmem:s10+$0xFFFFFFB0] =	vst v12;
	v4 =	vld.idx.msk [tilespmem:v2+s5+$0x0], $0xffff  }
0x3c: {  	[tilespmem:s10+$0xFFFFFFC0] =	vst v13;
	v5 =	vld.idx.msk [tilespmem:v14+s5+$0x0], $0xffff  }
0x3d: {  	[tilespmem:s10+$0xFFFFFFD0] =	vst v15;
	v6 =	vld.idx.msk [tilespmem:v16+s5+$0x0], $0xffff  }
0x3e: {  	[tilespmem:s10+$0xFFFFFFE0] =	vst v17;
	v2 =	vor.u32 $0x1, v8;
	v8 =	vld.idx.msk [tilespmem:v18+s5+$0x0], $0xffff  }
0x3f: {  	s12 =	simm.s32 $0x140;
	s11 =	simm.s32 $0x0;
	v1 =	vor.u32 $0x1, v11;
	v7 =	vld.idx.msk [tilespmem:v9+s5+$0x0], $0xffff;
	[tilespmem:s10+$0x70] =	vst v10  }
.LBB2_5:
0x40: {  	v9 =	vld [tilespmem:s12+$0x30];
	s11 =	sadd.s32 $0x8, s11;
	[tilespmem:s10+$0xFFFFFF80] =	vst v3  }
0x41: {  	v3 =	vld [tilespmem:s12+$0xFFFFFFD0];
	p1 =	slt.u32 s11, $0x3F8;
	[tilespmem:s10+$0x10] =	vst v4  }
0x42: {  	v4 =	vld [tilespmem:s12+$0xFFFFFFE0];
	[tilespmem:s10+$0x20] =	vst v5  }
0x43: {  	v5 =	vld [tilespmem:s12+$0xFFFFFFF0];
	[tilespmem:s10+$0x30] =	vst v6  }
0x44: {  	v6 =	vld [tilespmem:s12+$0x0];
	[tilespmem:s10+$0x40] =	vst v7  }
0x45: {  	v7 =	vld [tilespmem:s12+$0x10];
	v9 =	vshll.u32 v9, $0x1;
	[tilespmem:s10+$0x50] =	vst v8  }
0x46: {  	v3 =	vshll.u32 v3, $0x1;
	v8 =	vld [tilespmem:s12+$0x20]  }
0x47: {  	v10 =	vld [tilespmem:s12+$0xFFFFFFC0];
	v11 =	vor.u32 $0x1, v3;
	v4 =	vshll.u32 v4, $0x1  }
0x48: {  	v12 =	vor.u32 $0x1, v4;
	v5 =	vshll.u32 v5, $0x1;
	v13 =	vld.idx.msk [tilespmem:v2+s5+$0x0], $0xffff  }
0x49: {  	v14 =	vor.u32 $0x1, v5;
	v6 =	vshll.u32 v6, $0x1;
	v15 =	vld.idx.msk [tilespmem:v1+s5+$0x0], $0xffff  }
0x4a: {  	v16 =	vor.u32 $0x1, v6;
	v7 =	vshll.u32 v7, $0x1;
	v17 =	vld.idx.msk [tilespmem:v9+s5+$0x0], $0xffff  }
0x4b: {  	v3 =	vld.idx.msk [tilespmem:v3+s5+$0x0], $0xffff;
	v18 =	vor.u32 $0x1, v7;
	v8 =	vshll.u32 v8, $0x1  }
0x4c: {  	v9 =	vor.u32 $0x1, v9;
	v10 =	vshll.u32 v10, $0x1;
	v4 =	vld.idx.msk [tilespmem:v4+s5+$0x0], $0xffff;
	v1 =	vor.u32 $0x1, v8  }
0x4d: {  	v2 =	vor.u32 $0x1, v10;
	v5 =	vld.idx.msk [tilespmem:v5+s5+$0x0], $0xffff  }
0x4e: {  	v6 =	vld.idx.msk [tilespmem:v6+s5+$0x0], $0xffff;
	[tilespmem:s10+$0x0] =	vst v13  }
0x4f: {  	v7 =	vld.idx.msk [tilespmem:v7+s5+$0x0], $0xffff;
	[tilespmem:s10+$0x60] =	vst v15;
	s10 =	sadd.s32 $0x100, s10  }
0x50: {  	v8 =	vld.idx.msk [tilespmem:v8+s5+$0x0], $0xffff;
	[tilespmem:s10+$0xFFFFFFF0] =	vst v17  }
0x51: {  	[tilespmem:s10+$0xFFFFFF90] =	vst v3;
	v9 =	vld.idx.msk [tilespmem:v9+s5+$0x0], $0xffff  }
0x52: {  	v3 =	vld.idx.msk [tilespmem:v10+s5+$0x0], $0xffff;
	[tilespmem:s10+$0xFFFFFFA0] =	vst v4  }
.Ltmp1:
0x53: {  	v4 =	vld.idx.msk [tilespmem:v11+s5+$0x0], $0xffff;
	[tilespmem:s10+$0xFFFFFFB0] =	vst v5;
	(pc) =	sbr.rel @p1 .LBB2_5-.Ltmp1, $4  }
0x54: {  	v5 =	vld.idx.msk [tilespmem:v12+s5+$0x0], $0xffff;
	[tilespmem:s10+$0xFFFFFFC0] =	vst v6  }
0x55: {  	v6 =	vld.idx.msk [tilespmem:v14+s5+$0x0], $0xffff;
	[tilespmem:s10+$0xFFFFFFD0] =	vst v7  }
0x56: {  	v7 =	vld.idx.msk [tilespmem:v16+s5+$0x0], $0xffff;
	[tilespmem:s10+$0xFFFFFFE0] =	vst v8  }
0x57: {  	s12 =	sadd.s32 $0x80, s12;
	v8 =	vld.idx.msk [tilespmem:v18+s5+$0x0], $0xffff;
	[tilespmem:s10+$0x70] =	vst v9  }
0x58: {  	_ =	sdelay $0x2  }
0x59: {  	[tilespmem:s10+$0xFFFFFF80] =	vst v3  }
0x5a: {  	[tilespmem:s10+$0x10] =	vst v4;
	v1 =	vld.idx.msk [tilespmem:v1+s5+$0x0], $0xffff  }
0x5b: {  	v2 =	vld.idx.msk [tilespmem:v2+s5+$0x0], $0xffff;
	[tilespmem:s10+$0x20] =	vst v5  }
0x5c: {  	[tilespmem:s10+$0x30] =	vst v6  }
0x5d: {  	[tilespmem:s10+$0x40] =	vst v7  }
0x5e: {  	[tilespmem:s10+$0x50] =	vst v8  }
0x5f: {  	[tilespmem:s10+$0x60] =	vst v1  }
0x60: {  	s3 =	sadd.s32 @!p0 s3, s8;
	s11 =	simm.s32 @!p0 $0x10080;
	[tilespmem:s10+$0x0] =	vst v2;
	s10 =	simm.s32 @!p0 $0x4  }
0x61: {  	[tilespmem:s19], [sflag:$0x3] =	stream.indirect.gather.add.f32 [hbm:s1], $0x100, s18, s15, $0xb8;
	[tilespmem:$0x18180] =	vst v63  }
0x62: {  	p1 =	seq.s32 @!p0 s31, $0x7;
	s3 =	sshll.u32 @!p0 s3, $0x5;
	_ =	swait.ge @!p0 [sflag:s10], $0x8000  }
0x63: {  	p1 =	por p0, !p1;
	s3 =	sand.u32 @!p0 $0x1FFFF000, s3;
	[sflag:s10] =	ssyncset.done @!p0 $0x0  }
0x64: {  	s3 =	sadd.s32 @!p0 s4, s3;
	[sflag:s10] =	ssyncadd.s32 @!p0 $0xFFFF8000;
	s10 =	simm.s32 @!p0 $0x0  }
0x65: {  	[hbm4b:s3+s10] =	stream.linear.scatter @!p0 [tilespmem:s11], [sflag:$0x6], $0x8000, $0x38;
	[tilespmem:$0x18180] =	vst v63  }
0x66: {  	s2 =	sadd.s32 @p1 s2, s9  }
0x67: {  	[tilespmem:s15], [sflag:$0x1] =	stream.linear.gather @p1 [hbm4b:s2+s5], $0x4000, $0x38;
	[tilespmem:$0x18180] =	vst v63  }
0x68: {  	_ =	swait.ge [sflag:s20], $0x4000  }
0x69: {  	[sflag:s20] =	ssyncset.done $0x0  }
0x6a: {  	s2 =	simm.s32 @!p0 $0x6;
	[sflag:s20] =	ssyncadd.s32 $0xFFFFC000  }
0x6b: {  	s30 =	sadd.s32 $0xFFFFFFF0, s29;
	s12 =	simm.s32 $0x18110;
	_ =	swait.ge @!p0 [sflag:s2], $0x8000  }
0x6c: {  	s13 =	smov.u32 s29;
	s10 =	simm.s32 $0x18110;
	[sflag:s2] =	ssyncset.done @!p0 $0x0  }
0x6d: {  	v1 =	vor.u32 s29, v0;
	v2 =	vor.u32 s30, v0;
	s11 =	simm.s32 $0x0;
	s3 =	simm.s32 $0x40F0;
	[sflag:s2] =	ssyncadd.s32 @!p0 $0xFFFF8000  }
.LBB2_7:
0x6e: {  	s11 =	sadd.s32 $0x2, s11  }
0x6f: {  	[tilespmem:s10+$0xFFFFFFF0] =	vst v2;
	s12 =	sadd.s32 $0x20, s12;
	s13 =	sadd.s32 $0x20, s13;
	p0 =	slt.u32 s11, $0x6  }
.Ltmp2:
0x70: {  	[tilespmem:s10+$0x0] =	vst v1;
	s10 =	smov.u32 s12;
	(pc) =	sbr.rel @p0 .LBB2_7-.Ltmp2, $3  }
0x71: {  	_ =	sdelay $0x1  }
0x72: {  	s2 =	sadd.s32 $0xFFFFFFF0, s13  }
0x73: {  	v1 =	vor.u32 s13, v0;
	v2 =	vor.u32 s2, v0;
	s2 =	simm.s32 $0x10080  }
0x74: {  	[tilespmem:s10+$0xFFFFFFF0] =	vst v2  }
0x75: {  	[tilespmem:s10+$0x0] =	vst v1  }
0x76: {  	v1 =	vld [tilespmem:s3+$0x0]  }
0x77: {  	v2 =	vld [tilespmem:s3+$0xFFFFFFA0]  }
0x78: {  	v3 =	vld [tilespmem:s3+$0xFFFFFFB0]  }
0x79: {  	v4 =	vld [tilespmem:s3+$0xFFFFFFC0]  }
0x7a: {  	v5 =	vld [tilespmem:s3+$0xFFFFFFD0]  }
0x7b: {  	v6 =	vld [tilespmem:s3+$0xFFFFFFE0];
	v1 =	vshll.u32 v1, $0x1  }
0x7c: {  	v7 =	vld [tilespmem:s3+$0xFFFFFFF0];
	v2 =	vshll.u32 v2, $0x1  }
0x7d: {  	v8 =	vld [tilespmem:s3+$0xFFFFFF90];
	v3 =	vshll.u32 v3, $0x1  }
0x7e: {  	v4 =	vshll.u32 v4, $0x1  }
0x7f: {  	v5 =	vshll.u32 v5, $0x1  }
0x80: {  	v6 =	vshll.u32 v6, $0x1;
	v9 =	vld.idx.msk [tilespmem:v1+s5+$0x0], $0xffff  }
0x81: {  	v11 =	vshll.u32 v7, $0x1;
	v10 =	vld.idx.msk [tilespmem:v2+s5+$0x0], $0xffff  }
0x82: {  	v8 =	vshll.u32 v8, $0x1;
	v7 =	vld.idx.msk [tilespmem:v3+s5+$0x0], $0xffff  }
0x83: {  	v1 =	vor.u32 $0x1, v1;
	v12 =	vld.idx.msk [tilespmem:v4+s5+$0x0], $0xffff  }
0x84: {  	v2 =	vor.u32 $0x1, v2;
	v13 =	vld.idx.msk [tilespmem:v5+s5+$0x0], $0xffff  }
0x85: {  	v14 =	vor.u32 $0x1, v3;
	v15 =	vld.idx.msk [tilespmem:v6+s5+$0x0], $0xffff  }
0x86: {  	v16 =	vor.u32 $0x1, v4;
	v17 =	vld.idx.msk [tilespmem:v11+s5+$0x0], $0xffff;
	[tilespmem:s2+$0x70] =	vst v9  }
0x87: {  	v18 =	vor.u32 $0x1, v6;
	v3 =	vld.idx.msk [tilespmem:v8+s5+$0x0], $0xffff;
	[tilespmem:s2+$0x10] =	vst v10  }
0x88: {  	v9 =	vor.u32 $0x1, v5;
	[tilespmem:s2+$0x20] =	vst v7;
	v10 =	vld.idx.msk [tilespmem:v1+s5+$0x0], $0xffff  }
0x89: {  	[tilespmem:s2+$0x30] =	vst v12;
	v4 =	vld.idx.msk [tilespmem:v2+s5+$0x0], $0xffff  }
0x8a: {  	[tilespmem:s2+$0x40] =	vst v13;
	v5 =	vld.idx.msk [tilespmem:v14+s5+$0x0], $0xffff  }
0x8b: {  	[tilespmem:s2+$0x50] =	vst v15;
	v6 =	vld.idx.msk [tilespmem:v16+s5+$0x0], $0xffff  }
0x8c: {  	[tilespmem:s2+$0x60] =	vst v17;
	v2 =	vor.u32 $0x1, v8;
	v8 =	vld.idx.msk [tilespmem:v18+s5+$0x0], $0xffff  }
0x8d: {  	s10 =	simm.s32 $0x4170;
	s3 =	simm.s32 $0x0;
	v1 =	vor.u32 $0x1, v11;
	v7 =	vld.idx.msk [tilespmem:v9+s5+$0x0], $0xffff;
	[tilespmem:s2+$0xF0] =	vst v10  }
.LBB2_9:
0x8e: {  	v9 =	vld [tilespmem:s10+$0x0];
	s3 =	sadd.s32 $0x8, s3;
	[tilespmem:s2+$0x0] =	vst v3  }
0x8f: {  	v3 =	vld [tilespmem:s10+$0xFFFFFFA0];
	p0 =	slt.u32 s3, $0x3F8;
	[tilespmem:s2+$0x90] =	vst v4  }
0x90: {  	v4 =	vld [tilespmem:s10+$0xFFFFFFB0];
	[tilespmem:s2+$0xA0] =	vst v5  }
0x91: {  	v5 =	vld [tilespmem:s10+$0xFFFFFFC0];
	[tilespmem:s2+$0xB0] =	vst v6  }
0x92: {  	v6 =	vld [tilespmem:s10+$0xFFFFFFD0];
	[tilespmem:s2+$0xC0] =	vst v7  }
0x93: {  	v7 =	vld [tilespmem:s10+$0xFFFFFFE0];
	v9 =	vshll.u32 v9, $0x1;
	[tilespmem:s2+$0xD0] =	vst v8  }
0x94: {  	v3 =	vshll.u32 v3, $0x1;
	v8 =	vld [tilespmem:s10+$0xFFFFFFF0]  }
0x95: {  	v10 =	vld [tilespmem:s10+$0xFFFFFF90];
	v11 =	vor.u32 $0x1, v3;
	v4 =	vshll.u32 v4, $0x1  }
0x96: {  	v12 =	vor.u32 $0x1, v4;
	v5 =	vshll.u32 v5, $0x1;
	v13 =	vld.idx.msk [tilespmem:v2+s5+$0x0], $0xffff  }
0x97: {  	v14 =	vor.u32 $0x1, v5;
	v6 =	vshll.u32 v6, $0x1;
	v15 =	vld.idx.msk [tilespmem:v1+s5+$0x0], $0xffff  }
0x98: {  	v16 =	vor.u32 $0x1, v6;
	v7 =	vshll.u32 v7, $0x1;
	v17 =	vld.idx.msk [tilespmem:v9+s5+$0x0], $0xffff  }
0x99: {  	v3 =	vld.idx.msk [tilespmem:v3+s5+$0x0], $0xffff;
	v18 =	vor.u32 $0x1, v7;
	v8 =	vshll.u32 v8, $0x1  }
0x9a: {  	v9 =	vor.u32 $0x1, v9;
	v10 =	vshll.u32 v10, $0x1;
	v4 =	vld.idx.msk [tilespmem:v4+s5+$0x0], $0xffff;
	v1 =	vor.u32 $0x1, v8  }
0x9b: {  	v2 =	vor.u32 $0x1, v10;
	v5 =	vld.idx.msk [tilespmem:v5+s5+$0x0], $0xffff  }
0x9c: {  	v6 =	vld.idx.msk [tilespmem:v6+s5+$0x0], $0xffff;
	[tilespmem:s2+$0x80] =	vst v13  }
0x9d: {  	v7 =	vld.idx.msk [tilespmem:v7+s5+$0x0], $0xffff;
	[tilespmem:s2+$0xE0] =	vst v15;
	s2 =	sadd.s32 $0x100, s2  }
0x9e: {  	v8 =	vld.idx.msk [tilespmem:v8+s5+$0x0], $0xffff;
	[tilespmem:s2+$0x70] =	vst v17  }
0x9f: {  	[tilespmem:s2+$0x10] =	vst v3;
	v9 =	vld.idx.msk [tilespmem:v9+s5+$0x0], $0xffff  }
0xa0: {  	v3 =	vld.idx.msk [tilespmem:v10+s5+$0x0], $0xffff;
	[tilespmem:s2+$0x20] =	vst v4  }
.Ltmp3:
0xa1: {  	v4 =	vld.idx.msk [tilespmem:v11+s5+$0x0], $0xffff;
	[tilespmem:s2+$0x30] =	vst v5;
	(pc) =	sbr.rel @p0 .LBB2_9-.Ltmp3, $4  }
0xa2: {  	v5 =	vld.idx.msk [tilespmem:v12+s5+$0x0], $0xffff;
	[tilespmem:s2+$0x40] =	vst v6  }
0xa3: {  	v6 =	vld.idx.msk [tilespmem:v14+s5+$0x0], $0xffff;
	[tilespmem:s2+$0x50] =	vst v7  }
0xa4: {  	v7 =	vld.idx.msk [tilespmem:v16+s5+$0x0], $0xffff;
	[tilespmem:s2+$0x60] =	vst v8  }
0xa5: {  	s10 =	sadd.s32 $0x80, s10;
	v8 =	vld.idx.msk [tilespmem:v18+s5+$0x0], $0xffff;
	[tilespmem:s2+$0xF0] =	vst v9  }
0xa6: {  	_ =	sdelay $0x2  }
0xa7: {  	[tilespmem:s2+$0x0] =	vst v3  }
0xa8: {  	[tilespmem:s2+$0x90] =	vst v4;
	v1 =	vld.idx.msk [tilespmem:v1+s5+$0x0], $0xffff  }
0xa9: {  	v2 =	vld.idx.msk [tilespmem:v2+s5+$0x0], $0xffff;
	[tilespmem:s2+$0xA0] =	vst v5  }
0xaa: {  	[tilespmem:s2+$0xB0] =	vst v6  }
0xab: {  	[tilespmem:s2+$0xC0] =	vst v7  }
0xac: {  	[tilespmem:s2+$0xD0] =	vst v8  }
0xad: {  	s31 =	sadd.s32 $0x1, s31;
	[tilespmem:s2+$0xE0] =	vst v1  }
0xae: {  	p0 =	sne.s32 s31, $0x8;
	[tilespmem:s2+$0x80] =	vst v2  }
0xaf: {  	[tilespmem:s22], [sflag:$0x4] =	stream.indirect.gather.add.f32 [hbm:s1], $0x100, s21, s15, $0xb8;
	[tilespmem:$0x18180] =	vst v63  }
.Ltmp4:
0xb0: {  	_ = 	snop;
	(pc) =	sbr.rel @p0 .LBB2_2-.Ltmp4, $4  }
0xb1: {  	_ =	swait.ge [sflag:s23], $0x8000  }
0xb2: {  	s0 =	sshll.u32 s0, $0x5;
	s14 =	sadd.s32 $0x100, s14;
	[sflag:s23] =	ssyncset.done $0x0  }
0xb3: {  	s29 =	sadd.s32 $0x100, s29;
	s0 =	sadd.s32 s4, s0;
	[sflag:s23] =	ssyncadd.s32 $0xFFFF8000  }
0xb4: {  	[hbm4b:s0+s5] =	stream.linear.scatter [tilespmem:s19], [sflag:$0x5], $0x8000, $0x38;
	[tilespmem:$0x18180] =	vst v63  }
0xb5: {  	s0 =	simm.s32 $0x4  }
0xb6: {  	_ =	swait.ge [sflag:s0], $0x8000  }
0xb7: {  	[sflag:s0] =	ssyncset.done $0x0  }
0xb8: {  	s30 =	simm.s32 $0x5;
	s29 =	rddreg [dreg:$0x5];
	[sflag:s0] =	ssyncadd.s32 $0xFFFF8000  }
0xb9: {  	[hbm4b:s29+s5] =	stream.linear.scatter [tilespmem:s22], [sflag:$0x6], $0x8000, $0x38;
	[tilespmem:$0x18180] =	vst v63  }
0xba: {  	_ =	swait.ge [sflag:s30], $0x8000  }
0xbb: {  	[sflag:s30] =	ssyncset.done $0x0  }
0xbc: {  	[sflag:s30] =	ssyncadd.s32 $0xFFFF8000  }
0xbd: {  	_ =	swait.ge [sflag:s26], $0x8000  }
0xbe: {  	s28 =	sadd.s32 $0x1, s28;
	s31 =	rddreg [dreg:$0x6]  }
0xbf: {  	p0 =	sne.s32 s28, s31  }
.Ltmp5:
0xc0: {  	_ = 	snop;
	(pc) =	sbr.rel @p0 .LBB2_1-.Ltmp5, $3  }
0xc1: {  	_ =	sdelay $0x1  }
0xc2: {  	[sflag:s26] =	ssyncset.done $0x0  }
0xc3: {  	[sflag:s26] =	ssyncadd.s32 $0xFFFF8000  }
0xc4: {  	_ =	sfence.sel $0x180000  }
0xc5: {  	[bflag:$0x0] =	sbarrier.arrive $0xFFFF  }
0xc6: {  	_ =	strace $0x90000047  }
0xc7: {  	s0 =	stileid.u32;
	[bflag:$0x2] =	sbarrier.arrive $0xFFFF  }
0xc8: {  	p0 =	sne.s32 s0, $0x0;
	s0 =	rddreg [dreg:$0x4]  }
0xc9: {  	s0 =	sadd.s32 @!p0 $0x100000, s0  }
0xca: {  	[sflag:s0] =	ssyncadd.tile.s32 @!p0 $0x1;
	_ =	shalt  }
.Lfunc_end2:
_tile_overlayer_lowered:
.L_overlay_start_2:
0xcb: {  	(tag) =	ssettag $0x2  }
0xcc: {  	s0 =	rddreg [dreg:$0x0];
	s2 =	stileid.u32  }
0xcd: {  	s1 =	rddreg [dreg:$0x1];
	p0 =	sne.s32 s2, $0x0  }
0xce: {  	s3 =	rddreg [dreg:$0x2];
	[bflag:$0x3] =	sbarrier.arrive $0xFFFF;
	s2 =	simm.s32 @!p0 $0x1C07  }
0xcf: {  	[timem:s3], [sflag:s2] =	dma.local @!p0 [hbm:s0], s1  }
0xd0: {  	s0 =	simm.s32 @!p0 $0x7  }
0xd1: {  	_ =	swait.ge @!p0 [sflag:s0], s1  }
0xd2: {  	s1 =	ssub.s32 @!p0 $0x0, s1;
	[sflag:s0] =	ssyncset.done @!p0 $0x0  }
0xd3: {  	[sflag:s0] =	ssyncadd.s32 @!p0 s1  }
0xd4: {  	[bflag:$0x3] =	sbarrier.arrive $0xFFFF  }
0xd5: {  	_ =	shalt  }

</sc_bundles>
